<compile_context>
chip_gen: v7x
topology: tpu7x:2x2x1
jax: 0.10.2.dev20260603
libtpu: 0.0.44.dev20260713+nightly
codegen_flags: <defaults>
</compile_context>

<pallas_src>
import functools

import jax
import jax.numpy as jnp
from jax import lax
from jax.experimental import pallas as pl
from jax.experimental.pallas import tpu as pltpu
from jax.experimental.pallas import tpu_sc as plsc

BN_EPS = 1e-5
EDGE_CHUNK = 128
NBUF = 3
TRASH_ROWS = 8


def _sc_counts():
    try:
        info = plsc.get_sparse_core_info()
        return info.num_cores, info.num_subcores
    except Exception:
        return 2, 16


def _pad_edges(src, dst, n_nodes, nw, chunk):
    n_edges = src.shape[0]
    ept = n_edges // nw
    ept_pad = -(-ept // chunk) * chunk
    npad = ept_pad - ept
    if npad == 0:
        return src, dst, ept
    tile_i = jax.lax.broadcasted_iota(jnp.int32, (nw, npad), 0)
    pad_i = jax.lax.broadcasted_iota(jnp.int32, (nw, npad), 1)
    pad_src = (tile_i * 613 + pad_i * 97) % n_nodes
    pad_dst = n_nodes + (tile_i + pad_i) % TRASH_ROWS
    src2 = jnp.concatenate([src.reshape(nw, ept), pad_src], axis=1).reshape(-1)
    dst2 = jnp.concatenate([dst.reshape(nw, ept), pad_dst], axis=1).reshape(-1)
    return src2, dst2, ept_pad


def _make_agg(n_nodes, d, e_per_tile):
    NC, NS = _sc_counts()
    chunk = EDGE_CHUNK
    assert e_per_tile % chunk == 0
    n_steps = e_per_tile // chunk
    acc_rows = n_nodes + TRASH_ROWS
    rows_per_tile = (n_nodes // NS) // 8 * 8
    rem_rows = n_nodes - rows_per_tile * NS

    mesh = plsc.VectorSubcoreMesh(core_axis_name="c", subcore_axis_name="s")

    rows_t = [pltpu.VMEM((chunk, d), jnp.float32) for _ in range(NBUF)]
    srcb_t = [pltpu.VMEM((chunk,), jnp.int32) for _ in range(NBUF)]
    dstb_t = [pltpu.VMEM((chunk,), jnp.int32) for _ in range(NBUF)]
    sems = [pltpu.SemaphoreType.DMA for _ in range(4 * NBUF)]

    @functools.partial(
        pl.kernel,
        out_type=jax.ShapeDtypeStruct((NC * n_nodes, d), jnp.float32),
        mesh=mesh,
        scratch_types=[pltpu.VMEM_SHARED((acc_rows, d), jnp.float32)]
        + rows_t + srcb_t + dstb_t + sems,
    )
    def agg(x_hbm, src_hbm, dst_hbm, out_hbm, acc_ref, *bufs):
        rows = bufs[0:NBUF]
        srcb = bufs[NBUF:2 * NBUF]
        dstb = bufs[2 * NBUF:3 * NBUF]
        gsem = bufs[3 * NBUF:4 * NBUF]
        psem = bufs[4 * NBUF:5 * NBUF]
        dsem = bufs[5 * NBUF:6 * NBUF]
        ssem = bufs[6 * NBUF:7 * NBUF]
        cid = lax.axis_index("c")
        sid = lax.axis_index("s")
        wid = cid * NS + sid
        ebase = wid * e_per_tile

        r0 = sid * rows_per_tile
        pltpu.sync_copy(
            x_hbm.at[pl.ds(r0, rows_per_tile)],
            acc_ref.at[pl.ds(r0, rows_per_tile)],
        )
        if rem_rows:
            @pl.when(sid == NS - 1)
            def _():
                pltpu.sync_copy(
                    x_hbm.at[pl.ds(NS * rows_per_tile, rem_rows)],
                    acc_ref.at[pl.ds(NS * rows_per_tile, rem_rows)],
                )
        plsc.subcore_barrier()

        def echunk(hbm, k):
            return hbm.at[pl.ds(ebase + pl.multiple_of(k * chunk, 8), chunk)]

        def idx_start(k, j):
            pltpu.async_copy(echunk(src_hbm, k), srcb[j], psem[j])
            pltpu.async_copy(echunk(dst_hbm, k), dstb[j], dsem[j])

        def idx_wait(j):
            pltpu.make_async_copy(src_hbm.at[pl.ds(0, chunk)], srcb[j],
                                  psem[j]).wait()
            pltpu.make_async_copy(dst_hbm.at[pl.ds(0, chunk)], dstb[j],
                                  dsem[j]).wait()

        def gather_start(j):
            pltpu.async_copy(x_hbm.at[srcb[j]], rows[j], gsem[j])

        def gather_wait(j):
            pltpu.make_async_copy(x_hbm.at[srcb[j]], rows[j], gsem[j]).wait()

        def scatter_start(j):
            pltpu.async_copy(rows[j], acc_ref.at[dstb[j]], ssem[j], add=True)

        def scatter_wait(j):
            pltpu.make_async_copy(rows[j], acc_ref.at[dstb[j]], ssem[j]).wait()

        for k in range(min(NBUF, n_steps)):
            idx_start(k, k)
        for k in range(min(NBUF, n_steps)):
            idx_wait(k)
            gather_start(k)

        def body(m, carry):
            for j in range(NBUF):
                k = NBUF * m + j
                gather_wait(j)
                scatter_start(j)

                @pl.when(k + NBUF < n_steps)
                def _():
                    idx_start(k + NBUF, j)
                    scatter_wait(j)
                    idx_wait(j)
                    gather_start(j)
            return carry

        lax.fori_loop(0, n_steps // NBUF, body, 0)
        for k in range((n_steps // NBUF) * NBUF, n_steps):
            j = k % NBUF
            gather_wait(j)
            scatter_start(j)
        for j in range(min(NBUF, n_steps)):
            scatter_wait(j)
        plsc.subcore_barrier()

        o0 = cid * n_nodes + r0
        pltpu.sync_copy(
            acc_ref.at[pl.ds(r0, rows_per_tile)],
            out_hbm.at[pl.ds(o0, rows_per_tile)],
        )
        if rem_rows:
            @pl.when(sid == NS - 1)
            def _():
                pltpu.sync_copy(
                    acc_ref.at[pl.ds(NS * rows_per_tile, rem_rows)],
                    out_hbm.at[pl.ds(cid * n_nodes + NS * rows_per_tile, rem_rows)],
                )

    return agg, NC


def _make_dense(n_nodes, d_in, d_out, nc):
    def body(p_ref, x_ref, w_ref, b_ref, g_ref, be_ref, o_ref):
        agg = p_ref[0:n_nodes, :]
        for c in range(1, nc):
            agg = agg + p_ref[c * n_nodes:(c + 1) * n_nodes, :]
        agg = agg - (nc - 1) * x_ref[...]
        h = jnp.dot(agg, w_ref[...], preferred_element_type=jnp.float32)
        h = h + b_ref[...]
        mu = jnp.mean(h, axis=0, keepdims=True)
        var = jnp.mean((h - mu) ** 2, axis=0, keepdims=True)
        h = (h - mu) * lax.rsqrt(var + BN_EPS)
        h = h * g_ref[...] + be_ref[...]
        o_ref[...] = jnp.maximum(h, 0.0)

    return pl.pallas_call(
        body,
        out_shape=jax.ShapeDtypeStruct((n_nodes, d_out), jnp.float32),
    )


def kernel(node_feat, edge_index, W0, b0, gamma0, beta0, W1, b1, gamma1, beta1):
    n, d_in = node_feat.shape
    n_edges = edge_index.shape[1]
    nc, ns = _sc_counts()
    nw = nc * ns
    src = edge_index[0].astype(jnp.int32)
    dst = edge_index[1].astype(jnp.int32)
    src, dst, ept = _pad_edges(src, dst, n, nw, EDGE_CHUNK)

    agg0, _ = _make_agg(n, d_in, ept)
    dense0 = _make_dense(n, d_in, W0.shape[1], nc)
    p = agg0(node_feat, src, dst)
    h0 = dense0(p, node_feat, W0, b0.reshape(1, -1), gamma0.reshape(1, -1),
                beta0.reshape(1, -1))

    agg1 = _make_agg(n, W0.shape[1], ept)[0]
    dense1 = _make_dense(n, W0.shape[1], W1.shape[1], nc)
    q = agg1(h0, src, dst)
    h1 = dense1(q, h0, W1, b1.reshape(1, -1), gamma1.reshape(1, -1),
                beta1.reshape(1, -1))
    return h1

# --- scband reference (transcript-rebuilt; emitter-appended) ---
"""Pipeline reference for scband-gin-38311108280747 (READ-ONLY COPY).

The authoritative reference and input builder live on the scoring server;
editing this copy changes nothing except your own understanding.
"""

import jax, jax.numpy as jnp
import numpy as np

N_NODES = 10000
N_EDGES = 320000
D_IN = 128
HIDDENS = [128, 128]
EPS_GIN = 0.0
BN_EPS = 1e-5

def setup_inputs(seed: int = 0) -> dict:
    key = jax.random.key(seed)
    ks = jax.random.split(key, 12)
    node_feat = jax.random.normal(ks[0], (N_NODES, D_IN), dtype=jnp.float32)
    edge_index = jax.random.randint(ks[1], (2, N_EDGES), 0, N_NODES, dtype=jnp.int64)
    # layer 0 params (GIN linear + BN affine)
    W0 = jax.random.normal(ks[2], (D_IN, HIDDENS[0]), dtype=jnp.float32) * (1.0 / np.sqrt(D_IN))
    b0 = jnp.zeros((HIDDENS[0],), dtype=jnp.float32)
    gamma0 = jnp.ones((HIDDENS[0],), dtype=jnp.float32)
    beta0 = jnp.zeros((HIDDENS[0],), dtype=jnp.float32)
    # layer 1 params
    W1 = jax.random.normal(ks[3], (HIDDENS[0], HIDDENS[1]), dtype=jnp.float32) * (1.0 / np.sqrt(HIDDENS[0]))
    b1 = jnp.zeros((HIDDENS[1],), dtype=jnp.float32)
    gamma1 = jnp.ones((HIDDENS[1],), dtype=jnp.float32)
    beta1 = jnp.zeros((HIDDENS[1],), dtype=jnp.float32)
    return {"node_feat": node_feat, "edge_index": edge_index,
            "W0": W0, "b0": b0, "gamma0": gamma0, "beta0": beta0,
            "W1": W1, "b1": b1, "gamma1": gamma1, "beta1": beta1}

def _gin_layer(x, src, dst, W, b, gamma, beta):
    # GIN aggregation: (1 + eps) * x + sum_{j in N(i)} x_j  (self loops already added via src/dst)
    msgs = jnp.take(x, src, axis=0)                      # gather (SparseCore)
    agg = jax.ops.segment_sum(msgs, dst, num_segments=x.shape[0])  # scatter-add
    h = agg + EPS_GIN * x
    h = h @ W + b
    # BatchNorm1d over nodes (batch statistics)
    mu = jnp.mean(h, axis=0, keepdims=True)
    var = jnp.var(h, axis=0, keepdims=True)
    h = (h - mu) / jnp.sqrt(var + BN_EPS)
    h = h * gamma + beta
    h = jax.nn.relu(h)
    # dropout p=0.0 -> identity
    return h

def reference(node_feat, edge_index, W0, b0, gamma0, beta0, W1, b1, gamma1, beta1):
    # add self loops (add_self_loop=True)
    n = node_feat.shape[0]
    self_idx = jnp.arange(n, dtype=edge_index.dtype)
    src = jnp.concatenate([edge_index[0], self_idx])
    dst = jnp.concatenate([edge_index[1], self_idx])
    x = _gin_layer(node_feat, src, dst, W0, b0, gamma0, beta0)
    x = _gin_layer(x, src, dst, W1, b1, gamma1, beta1)
    return x

if __name__ == "__main__":
    import jax
    _d = setup_inputs()
    print(jax.jit(kernel)(*tuple(_d.values())))

</pallas_src>

<mosaic_0001>
#map = affine_map<(d0, d1) -> (0, 0)>
#map1 = affine_map<(d0, d1) -> (0)>
module attributes {stable_mosaic.version = 14 : i64} {
  func.func @agg(%arg0: i32, %arg1: i32, %arg2: memref<10000x128xf32, #tpu.memory_space<hbm>>, %arg3: memref<323584xi32, #tpu.memory_space<hbm>>, %arg4: memref<323584xi32, #tpu.memory_space<hbm>>, %arg5: memref<20000x128xf32, #tpu.memory_space<hbm>>, %arg6: memref<10008x128xf32, #tpu.memory_space<vmem_shared>>, %arg7: memref<128x128xf32, #tpu.memory_space<vmem>>, %arg8: memref<128x128xf32, #tpu.memory_space<vmem>>, %arg9: memref<128x128xf32, #tpu.memory_space<vmem>>, %arg10: memref<128xi32, #tpu.memory_space<vmem>>, %arg11: memref<128xi32, #tpu.memory_space<vmem>>, %arg12: memref<128xi32, #tpu.memory_space<vmem>>, %arg13: memref<128xi32, #tpu.memory_space<vmem>>, %arg14: memref<128xi32, #tpu.memory_space<vmem>>, %arg15: memref<128xi32, #tpu.memory_space<vmem>>, %arg16: memref<!tpu.dma_semaphore, #tpu.memory_space<semaphore_mem>>, %arg17: memref<!tpu.dma_semaphore, #tpu.memory_space<semaphore_mem>>, %arg18: memref<!tpu.dma_semaphore, #tpu.memory_space<semaphore_mem>>, %arg19: memref<!tpu.dma_semaphore, #tpu.memory_space<semaphore_mem>>, %arg20: memref<!tpu.dma_semaphore, #tpu.memory_space<semaphore_mem>>, %arg21: memref<!tpu.dma_semaphore, #tpu.memory_space<semaphore_mem>>, %arg22: memref<!tpu.dma_semaphore, #tpu.memory_space<semaphore_mem>>, %arg23: memref<!tpu.dma_semaphore, #tpu.memory_space<semaphore_mem>>, %arg24: memref<!tpu.dma_semaphore, #tpu.memory_space<semaphore_mem>>, %arg25: memref<!tpu.dma_semaphore, #tpu.memory_space<semaphore_mem>>, %arg26: memref<!tpu.dma_semaphore, #tpu.memory_space<semaphore_mem>>, %arg27: memref<!tpu.dma_semaphore, #tpu.memory_space<semaphore_mem>>) attributes {dimension_semantics = [#tpu.dimension_semantics<core_parallel>, #tpu.dimension_semantics<subcore_parallel>], iteration_bounds = array<i64: 2, 16>, scalar_prefetch = 0 : i64, scratch_operands = 22 : i64, tpu.core_type = #tpu.core_type<sc_vector_subcore>, window_params = [{transform_indices = #map}, {transform_indices = #map1}, {transform_indices = #map1}, {transform_indices = #map}]} {
    %mul3A = arith.constant 16 : i32
    %mul3A_0 = arith.muli %arg0, %mul3A : i32
    %add3A = arith.addi %mul3A_0, %arg1 : i32
    %mul3A_1 = arith.constant 10112 : i32
    %mul3A_2 = arith.muli %add3A, %mul3A_1 : i32
    %mul3A_3 = arith.constant 624 : i32
    %mul3A_4 = arith.muli %arg1, %mul3A_3 : i32
    "tpu.region"() ({
      %run_scoped3A = tpu.sem_alloc : memref<!tpu.dma_semaphore, #tpu.memory_space<semaphore_mem>>
      %dma_start3A_96 = arith.constant 0 : i32
      %dma_start3A_97 = tpu.memref_slice %arg6[%mul3A_4, %dma_start3A_96] : memref<10008x128xf32, #tpu.memory_space<vmem_shared>> -> memref<624x128xf32, #tpu.memory_space<vmem_shared>>
      %dma_start3A_98 = arith.constant 0 : i32
      %dma_start3A_99 = tpu.memref_slice %arg2[%mul3A_4, %dma_start3A_98] : memref<10000x128xf32, #tpu.memory_space<hbm>> -> memref<624x128xf32, #tpu.memory_space<hbm>>
      tpu.enqueue_dma source(%dma_start3A_99 : memref<624x128xf32, #tpu.memory_space<hbm>>) target(%dma_start3A_97 : memref<624x128xf32, #tpu.memory_space<vmem_shared>>) target_semaphore(%run_scoped3A : memref<!tpu.dma_semaphore, #tpu.memory_space<semaphore_mem>>)
      %dma_wait3A_100 = arith.constant 0 : i32
      %dma_wait3A_101 = tpu.memref_slice %arg6[%mul3A_4, %dma_wait3A_100] : memref<10008x128xf32, #tpu.memory_space<vmem_shared>> -> memref<624x128xf32, #tpu.memory_space<vmem_shared>>
      %dma_wait3A_102 = arith.constant 0 : i32
      %dma_wait3A_103 = tpu.memref_slice %arg2[%mul3A_4, %dma_wait3A_102] : memref<10000x128xf32, #tpu.memory_space<hbm>> -> memref<624x128xf32, #tpu.memory_space<hbm>>
      tpu.wait_dma2 semaphore(%run_scoped3A : memref<!tpu.dma_semaphore, #tpu.memory_space<semaphore_mem>>) src(%dma_wait3A_103 : memref<624x128xf32, #tpu.memory_space<hbm>>) dst(%dma_wait3A_101 : memref<624x128xf32, #tpu.memory_space<vmem_shared>>)
      tpu.yield
    }) : () -> ()
    %eq3A = arith.constant 15 : i32
    %eq3A_5 = arith.cmpi eq, %arg1, %eq3A : i32
    %convert_element_type3A = arith.extui %eq3A_5 : i1 to i32
    %cond3A = arith.constant 0 : i32
    %cond3A_6 = arith.cmpi ne, %convert_element_type3A, %cond3A : i32
    scf.if %cond3A_6 {
      "tpu.region"() ({
        %run_scoped3A = tpu.sem_alloc : memref<!tpu.dma_semaphore, #tpu.memory_space<semaphore_mem>>
        %dma_start3A_96 = arith.constant 9984 : i32
        %dma_start3A_97 = arith.constant 0 : i32
        %dma_start3A_98 = tpu.memref_slice %arg6[%dma_start3A_96, %dma_start3A_97] : memref<10008x128xf32, #tpu.memory_space<vmem_shared>> -> memref<16x128xf32, #tpu.memory_space<vmem_shared>>
        %dma_start3A_99 = arith.constant 9984 : i32
        %dma_start3A_100 = arith.constant 0 : i32
        %dma_start3A_101 = tpu.memref_slice %arg2[%dma_start3A_99, %dma_start3A_100] : memref<10000x128xf32, #tpu.memory_space<hbm>> -> memref<16x128xf32, #tpu.memory_space<hbm>>
        tpu.enqueue_dma source(%dma_start3A_101 : memref<16x128xf32, #tpu.memory_space<hbm>>) target(%dma_start3A_98 : memref<16x128xf32, #tpu.memory_space<vmem_shared>>) target_semaphore(%run_scoped3A : memref<!tpu.dma_semaphore, #tpu.memory_space<semaphore_mem>>)
        %dma_wait3A_102 = arith.constant 9984 : i32
        %dma_wait3A_103 = arith.constant 0 : i32
        %dma_wait3A_104 = tpu.memref_slice %arg6[%dma_wait3A_102, %dma_wait3A_103] : memref<10008x128xf32, #tpu.memory_space<vmem_shared>> -> memref<16x128xf32, #tpu.memory_space<vmem_shared>>
        %dma_wait3A_105 = arith.constant 9984 : i32
        %dma_wait3A_106 = arith.constant 0 : i32
        %dma_wait3A_107 = tpu.memref_slice %arg2[%dma_wait3A_105, %dma_wait3A_106] : memref<10000x128xf32, #tpu.memory_space<hbm>> -> memref<16x128xf32, #tpu.memory_space<hbm>>
        tpu.wait_dma2 semaphore(%run_scoped3A : memref<!tpu.dma_semaphore, #tpu.memory_space<semaphore_mem>>) src(%dma_wait3A_107 : memref<16x128xf32, #tpu.memory_space<hbm>>) dst(%dma_wait3A_104 : memref<16x128xf32, #tpu.memory_space<vmem_shared>>)
        tpu.yield
      }) : () -> ()
    } else {
    }
    %barrier3A = arith.constant 0 : index
    tpu.barrier barrier_id(%barrier3A)
    %multiple_of3A = arith.constant 0 : i32
    %multiple_of3A_7 = tpu.assume_multiple %multiple_of3A, 8 : i32
    %add3A_8 = arith.addi %mul3A_2, %multiple_of3A_7 : i32
    %dma_start3A = tpu.memref_slice %arg3[%add3A_8] : memref<323584xi32, #tpu.memory_space<hbm>> -> memref<128xi32, #tpu.memory_space<hbm>>
    %dma_start3A_9 = tpu.memref_slice %arg3[%add3A_8] : memref<323584xi32, #tpu.memory_space<hbm>> -> memref<128xi32, #tpu.memory_space<hbm>>
    tpu.enqueue_dma source(%dma_start3A_9 : memref<128xi32, #tpu.memory_space<hbm>>) target(%arg10 : memref<128xi32, #tpu.memory_space<vmem>>) target_semaphore(%arg19 : memref<!tpu.dma_semaphore, #tpu.memory_space<semaphore_mem>>)
    %multiple_of3A_10 = arith.constant 0 : i32
    %multiple_of3A_11 = tpu.assume_multiple %multiple_of3A_10, 8 : i32
    %add3A_12 = arith.addi %mul3A_2, %multiple_of3A_11 : i32
    %dma_start3A_13 = tpu.memref_slice %arg4[%add3A_12] : memref<323584xi32, #tpu.memory_space<hbm>> -> memref<128xi32, #tpu.memory_space<hbm>>
    %dma_start3A_14 = tpu.memref_slice %arg4[%add3A_12] : memref<323584xi32, #tpu.memory_space<hbm>> -> memref<128xi32, #tpu.memory_space<hbm>>
    tpu.enqueue_dma source(%dma_start3A_14 : memref<128xi32, #tpu.memory_space<hbm>>) target(%arg13 : memref<128xi32, #tpu.memory_space<vmem>>) target_semaphore(%arg22 : memref<!tpu.dma_semaphore, #tpu.memory_space<semaphore_mem>>)
    %multiple_of3A_15 = arith.constant 128 : i32
    %multiple_of3A_16 = tpu.assume_multiple %multiple_of3A_15, 8 : i32
    %add3A_17 = arith.addi %mul3A_2, %multiple_of3A_16 : i32
    %dma_start3A_18 = tpu.memref_slice %arg3[%add3A_17] : memref<323584xi32, #tpu.memory_space<hbm>> -> memref<128xi32, #tpu.memory_space<hbm>>
    %dma_start3A_19 = tpu.memref_slice %arg3[%add3A_17] : memref<323584xi32, #tpu.memory_space<hbm>> -> memref<128xi32, #tpu.memory_space<hbm>>
    tpu.enqueue_dma source(%dma_start3A_19 : memref<128xi32, #tpu.memory_space<hbm>>) target(%arg11 : memref<128xi32, #tpu.memory_space<vmem>>) target_semaphore(%arg20 : memref<!tpu.dma_semaphore, #tpu.memory_space<semaphore_mem>>)
    %multiple_of3A_20 = arith.constant 128 : i32
    %multiple_of3A_21 = tpu.assume_multiple %multiple_of3A_20, 8 : i32
    %add3A_22 = arith.addi %mul3A_2, %multiple_of3A_21 : i32
    %dma_start3A_23 = tpu.memref_slice %arg4[%add3A_22] : memref<323584xi32, #tpu.memory_space<hbm>> -> memref<128xi32, #tpu.memory_space<hbm>>
    %dma_start3A_24 = tpu.memref_slice %arg4[%add3A_22] : memref<323584xi32, #tpu.memory_space<hbm>> -> memref<128xi32, #tpu.memory_space<hbm>>
    tpu.enqueue_dma source(%dma_start3A_24 : memref<128xi32, #tpu.memory_space<hbm>>) target(%arg14 : memref<128xi32, #tpu.memory_space<vmem>>) target_semaphore(%arg23 : memref<!tpu.dma_semaphore, #tpu.memory_space<semaphore_mem>>)
    %multiple_of3A_25 = arith.constant 256 : i32
    %multiple_of3A_26 = tpu.assume_multiple %multiple_of3A_25, 8 : i32
    %add3A_27 = arith.addi %mul3A_2, %multiple_of3A_26 : i32
    %dma_start3A_28 = tpu.memref_slice %arg3[%add3A_27] : memref<323584xi32, #tpu.memory_space<hbm>> -> memref<128xi32, #tpu.memory_space<hbm>>
    %dma_start3A_29 = tpu.memref_slice %arg3[%add3A_27] : memref<323584xi32, #tpu.memory_space<hbm>> -> memref<128xi32, #tpu.memory_space<hbm>>
    tpu.enqueue_dma source(%dma_start3A_29 : memref<128xi32, #tpu.memory_space<hbm>>) target(%arg12 : memref<128xi32, #tpu.memory_space<vmem>>) target_semaphore(%arg21 : memref<!tpu.dma_semaphore, #tpu.memory_space<semaphore_mem>>)
    %multiple_of3A_30 = arith.constant 256 : i32
    %multiple_of3A_31 = tpu.assume_multiple %multiple_of3A_30, 8 : i32
    %add3A_32 = arith.addi %mul3A_2, %multiple_of3A_31 : i32
    %dma_start3A_33 = tpu.memref_slice %arg4[%add3A_32] : memref<323584xi32, #tpu.memory_space<hbm>> -> memref<128xi32, #tpu.memory_space<hbm>>
    %dma_start3A_34 = tpu.memref_slice %arg4[%add3A_32] : memref<323584xi32, #tpu.memory_space<hbm>> -> memref<128xi32, #tpu.memory_space<hbm>>
    tpu.enqueue_dma source(%dma_start3A_34 : memref<128xi32, #tpu.memory_space<hbm>>) target(%arg15 : memref<128xi32, #tpu.memory_space<vmem>>) target_semaphore(%arg24 : memref<!tpu.dma_semaphore, #tpu.memory_space<semaphore_mem>>)
    %dma_wait3A = arith.constant 0 : i32
    %dma_wait3A_35 = tpu.memref_slice %arg3[%dma_wait3A] : memref<323584xi32, #tpu.memory_space<hbm>> -> memref<128xi32, #tpu.memory_space<hbm>>
    %dma_wait3A_36 = arith.constant 0 : i32
    %dma_wait3A_37 = tpu.memref_slice %arg3[%dma_wait3A_36] : memref<323584xi32, #tpu.memory_space<hbm>> -> memref<128xi32, #tpu.memory_space<hbm>>
    tpu.wait_dma2 semaphore(%arg19 : memref<!tpu.dma_semaphore, #tpu.memory_space<semaphore_mem>>) src(%dma_wait3A_37 : memref<128xi32, #tpu.memory_space<hbm>>) dst(%arg10 : memref<128xi32, #tpu.memory_space<vmem>>)
    %dma_wait3A_38 = arith.constant 0 : i32
    %dma_wait3A_39 = tpu.memref_slice %arg4[%dma_wait3A_38] : memref<323584xi32, #tpu.memory_space<hbm>> -> memref<128xi32, #tpu.memory_space<hbm>>
    %dma_wait3A_40 = arith.constant 0 : i32
    %dma_wait3A_41 = tpu.memref_slice %arg4[%dma_wait3A_40] : memref<323584xi32, #tpu.memory_space<hbm>> -> memref<128xi32, #tpu.memory_space<hbm>>
    tpu.wait_dma2 semaphore(%arg22 : memref<!tpu.dma_semaphore, #tpu.memory_space<semaphore_mem>>) src(%dma_wait3A_41 : memref<128xi32, #tpu.memory_space<hbm>>) dst(%arg13 : memref<128xi32, #tpu.memory_space<vmem>>)
    %dma_start3A_42 = arith.constant 0 : i32
    %dma_start3A_43 = arith.constant 0 : i32
    %dma_start3A_44 = tpu.memref_slice %arg2[%dma_start3A_42, %dma_start3A_43] : memref<10000x128xf32, #tpu.memory_space<hbm>> -> memref<10000x128xf32, #tpu.memory_space<hbm>>
    tpu.enqueue_indirect_dma source(%dma_start3A_44 : memref<10000x128xf32, #tpu.memory_space<hbm>>) target(%arg7 : memref<128x128xf32, #tpu.memory_space<vmem>>) offsets(%arg10 : memref<128xi32, #tpu.memory_space<vmem>>) semaphore(%arg16 : memref<!tpu.dma_semaphore, #tpu.memory_space<semaphore_mem>>)
    %dma_wait3A_45 = arith.constant 0 : i32
    %dma_wait3A_46 = tpu.memref_slice %arg3[%dma_wait3A_45] : memref<323584xi32, #tpu.memory_space<hbm>> -> memref<128xi32, #tpu.memory_space<hbm>>
    %dma_wait3A_47 = arith.constant 0 : i32
    %dma_wait3A_48 = tpu.memref_slice %arg3[%dma_wait3A_47] : memref<323584xi32, #tpu.memory_space<hbm>> -> memref<128xi32, #tpu.memory_space<hbm>>
    tpu.wait_dma2 semaphore(%arg20 : memref<!tpu.dma_semaphore, #tpu.memory_space<semaphore_mem>>) src(%dma_wait3A_48 : memref<128xi32, #tpu.memory_space<hbm>>) dst(%arg11 : memref<128xi32, #tpu.memory_space<vmem>>)
    %dma_wait3A_49 = arith.constant 0 : i32
    %dma_wait3A_50 = tpu.memref_slice %arg4[%dma_wait3A_49] : memref<323584xi32, #tpu.memory_space<hbm>> -> memref<128xi32, #tpu.memory_space<hbm>>
    %dma_wait3A_51 = arith.constant 0 : i32
    %dma_wait3A_52 = tpu.memref_slice %arg4[%dma_wait3A_51] : memref<323584xi32, #tpu.memory_space<hbm>> -> memref<128xi32, #tpu.memory_space<hbm>>
    tpu.wait_dma2 semaphore(%arg23 : memref<!tpu.dma_semaphore, #tpu.memory_space<semaphore_mem>>) src(%dma_wait3A_52 : memref<128xi32, #tpu.memory_space<hbm>>) dst(%arg14 : memref<128xi32, #tpu.memory_space<vmem>>)
    %dma_start3A_53 = arith.constant 0 : i32
    %dma_start3A_54 = arith.constant 0 : i32
    %dma_start3A_55 = tpu.memref_slice %arg2[%dma_start3A_53, %dma_start3A_54] : memref<10000x128xf32, #tpu.memory_space<hbm>> -> memref<10000x128xf32, #tpu.memory_space<hbm>>
    tpu.enqueue_indirect_dma source(%dma_start3A_55 : memref<10000x128xf32, #tpu.memory_space<hbm>>) target(%arg8 : memref<128x128xf32, #tpu.memory_space<vmem>>) offsets(%arg11 : memref<128xi32, #tpu.memory_space<vmem>>) semaphore(%arg17 : memref<!tpu.dma_semaphore, #tpu.memory_space<semaphore_mem>>)
    %dma_wait3A_56 = arith.constant 0 : i32
    %dma_wait3A_57 = tpu.memref_slice %arg3[%dma_wait3A_56] : memref<323584xi32, #tpu.memory_space<hbm>> -> memref<128xi32, #tpu.memory_space<hbm>>
    %dma_wait3A_58 = arith.constant 0 : i32
    %dma_wait3A_59 = tpu.memref_slice %arg3[%dma_wait3A_58] : memref<323584xi32, #tpu.memory_space<hbm>> -> memref<128xi32, #tpu.memory_space<hbm>>
    tpu.wait_dma2 semaphore(%arg21 : memref<!tpu.dma_semaphore, #tpu.memory_space<semaphore_mem>>) src(%dma_wait3A_59 : memref<128xi32, #tpu.memory_space<hbm>>) dst(%arg12 : memref<128xi32, #tpu.memory_space<vmem>>)
    %dma_wait3A_60 = arith.constant 0 : i32
    %dma_wait3A_61 = tpu.memref_slice %arg4[%dma_wait3A_60] : memref<323584xi32, #tpu.memory_space<hbm>> -> memref<128xi32, #tpu.memory_space<hbm>>
    %dma_wait3A_62 = arith.constant 0 : i32
    %dma_wait3A_63 = tpu.memref_slice %arg4[%dma_wait3A_62] : memref<323584xi32, #tpu.memory_space<hbm>> -> memref<128xi32, #tpu.memory_space<hbm>>
    tpu.wait_dma2 semaphore(%arg24 : memref<!tpu.dma_semaphore, #tpu.memory_space<semaphore_mem>>) src(%dma_wait3A_63 : memref<128xi32, #tpu.memory_space<hbm>>) dst(%arg15 : memref<128xi32, #tpu.memory_space<vmem>>)
    %dma_start3A_64 = arith.constant 0 : i32
    %dma_start3A_65 = arith.constant 0 : i32
    %dma_start3A_66 = tpu.memref_slice %arg2[%dma_start3A_64, %dma_start3A_65] : memref<10000x128xf32, #tpu.memory_space<hbm>> -> memref<10000x128xf32, #tpu.memory_space<hbm>>
    tpu.enqueue_indirect_dma source(%dma_start3A_66 : memref<10000x128xf32, #tpu.memory_space<hbm>>) target(%arg9 : memref<128x128xf32, #tpu.memory_space<vmem>>) offsets(%arg12 : memref<128xi32, #tpu.memory_space<vmem>>) semaphore(%arg18 : memref<!tpu.dma_semaphore, #tpu.memory_space<semaphore_mem>>)
    %scan3A = arith.constant 0 : i32
    %scan3A_67 = arith.constant 0 : i32
    %scan3A_68 = arith.constant 26 : i32
    %scan3A_69 = arith.addi %scan3A_67, %scan3A_68 : i32
    %scan3A_70 = arith.constant 1 : i32
    scf.for %scan3A_96 = %scan3A_67 to %scan3A_69 step %scan3A_70  : i32 {
      %mul3A_97 = arith.constant 3 : i32
      %mul3A_98 = arith.muli %mul3A_97, %scan3A_96 : i32
      %add3A_99 = arith.constant 0 : i32
      %add3A_100 = arith.addi %mul3A_98, %add3A_99 : i32
      %dma_wait3A_101 = arith.constant 0 : i32
      %dma_wait3A_102 = arith.constant 0 : i32
      %dma_wait3A_103 = tpu.memref_slice %arg2[%dma_wait3A_101, %dma_wait3A_102] : memref<10000x128xf32, #tpu.memory_space<hbm>> -> memref<10000x128xf32, #tpu.memory_space<hbm>>
      tpu.wait_indirect_dma semaphore(%arg16 : memref<!tpu.dma_semaphore, #tpu.memory_space<semaphore_mem>>) src(%dma_wait3A_103 : memref<10000x128xf32, #tpu.memory_space<hbm>>) dst(%arg7 : memref<128x128xf32, #tpu.memory_space<vmem>>)
      %dma_start3A_104 = arith.constant 0 : i32
      %dma_start3A_105 = arith.constant 0 : i32
      %dma_start3A_106 = tpu.memref_slice %arg6[%dma_start3A_104, %dma_start3A_105] : memref<10008x128xf32, #tpu.memory_space<vmem_shared>> -> memref<10008x128xf32, #tpu.memory_space<vmem_shared>>
      tpu.enqueue_indirect_dma source(%arg7 : memref<128x128xf32, #tpu.memory_space<vmem>>) target(%dma_start3A_106 : memref<10008x128xf32, #tpu.memory_space<vmem_shared>>) offsets(%arg13 : memref<128xi32, #tpu.memory_space<vmem>>) semaphore(%arg25 : memref<!tpu.dma_semaphore, #tpu.memory_space<semaphore_mem>>) {add = true}
      %add3A_107 = arith.constant 3 : i32
      %add3A_108 = arith.addi %add3A_100, %add3A_107 : i32
      %lt3A = arith.constant 79 : i32
      %lt3A_109 = arith.cmpi slt, %add3A_108, %lt3A : i32
      %convert_element_type3A_110 = arith.extui %lt3A_109 : i1 to i32
      %cond3A_111 = arith.constant 0 : i32
      %cond3A_112 = arith.cmpi ne, %convert_element_type3A_110, %cond3A_111 : i32
      scf.if %cond3A_112 {
        %add3A_147 = arith.constant 3 : i32
        %add3A_148 = arith.addi %add3A_100, %add3A_147 : i32
        %mul3A_149 = arith.constant 128 : i32
        %mul3A_150 = arith.muli %add3A_148, %mul3A_149 : i32
        %multiple_of3A_151 = tpu.assume_multiple %mul3A_150, 8 : i32
        %add3A_152 = arith.addi %mul3A_2, %multiple_of3A_151 : i32
        %dma_start3A_153 = tpu.memref_slice %arg3[%add3A_152] : memref<323584xi32, #tpu.memory_space<hbm>> -> memref<128xi32, #tpu.memory_space<hbm>>
        %dma_start3A_154 = tpu.memref_slice %arg3[%add3A_152] : memref<323584xi32, #tpu.memory_space<hbm>> -> memref<128xi32, #tpu.memory_space<hbm>>
        tpu.enqueue_dma source(%dma_start3A_154 : memref<128xi32, #tpu.memory_space<hbm>>) target(%arg10 : memref<128xi32, #tpu.memory_space<vmem>>) target_semaphore(%arg19 : memref<!tpu.dma_semaphore, #tpu.memory_space<semaphore_mem>>)
        %mul3A_155 = arith.constant 128 : i32
        %mul3A_156 = arith.muli %add3A_148, %mul3A_155 : i32
        %multiple_of3A_157 = tpu.assume_multiple %mul3A_156, 8 : i32
        %add3A_158 = arith.addi %mul3A_2, %multiple_of3A_157 : i32
        %dma_start3A_159 = tpu.memref_slice %arg4[%add3A_158] : memref<323584xi32, #tpu.memory_space<hbm>> -> memref<128xi32, #tpu.memory_space<hbm>>
        %dma_start3A_160 = tpu.memref_slice %arg4[%add3A_158] : memref<323584xi32, #tpu.memory_space<hbm>> -> memref<128xi32, #tpu.memory_space<hbm>>
        tpu.enqueue_dma source(%dma_start3A_160 : memref<128xi32, #tpu.memory_space<hbm>>) target(%arg13 : memref<128xi32, #tpu.memory_space<vmem>>) target_semaphore(%arg22 : memref<!tpu.dma_semaphore, #tpu.memory_space<semaphore_mem>>)
        %dma_wait3A_161 = arith.constant 0 : i32
        %dma_wait3A_162 = arith.constant 0 : i32
        %dma_wait3A_163 = tpu.memref_slice %arg6[%dma_wait3A_161, %dma_wait3A_162] : memref<10008x128xf32, #tpu.memory_space<vmem_shared>> -> memref<10008x128xf32, #tpu.memory_space<vmem_shared>>
        tpu.wait_indirect_dma semaphore(%arg25 : memref<!tpu.dma_semaphore, #tpu.memory_space<semaphore_mem>>) src(%arg7 : memref<128x128xf32, #tpu.memory_space<vmem>>) dst(%dma_wait3A_163 : memref<10008x128xf32, #tpu.memory_space<vmem_shared>>)
        %dma_wait3A_164 = arith.constant 0 : i32
        %dma_wait3A_165 = tpu.memref_slice %arg3[%dma_wait3A_164] : memref<323584xi32, #tpu.memory_space<hbm>> -> memref<128xi32, #tpu.memory_space<hbm>>
        %dma_wait3A_166 = arith.constant 0 : i32
        %dma_wait3A_167 = tpu.memref_slice %arg3[%dma_wait3A_166] : memref<323584xi32, #tpu.memory_space<hbm>> -> memref<128xi32, #tpu.memory_space<hbm>>
        tpu.wait_dma2 semaphore(%arg19 : memref<!tpu.dma_semaphore, #tpu.memory_space<semaphore_mem>>) src(%dma_wait3A_167 : memref<128xi32, #tpu.memory_space<hbm>>) dst(%arg10 : memref<128xi32, #tpu.memory_space<vmem>>)
        %dma_wait3A_168 = arith.constant 0 : i32
        %dma_wait3A_169 = tpu.memref_slice %arg4[%dma_wait3A_168] : memref<323584xi32, #tpu.memory_space<hbm>> -> memref<128xi32, #tpu.memory_space<hbm>>
        %dma_wait3A_170 = arith.constant 0 : i32
        %dma_wait3A_171 = tpu.memref_slice %arg4[%dma_wait3A_170] : memref<323584xi32, #tpu.memory_space<hbm>> -> memref<128xi32, #tpu.memory_space<hbm>>
        tpu.wait_dma2 semaphore(%arg22 : memref<!tpu.dma_semaphore, #tpu.memory_space<semaphore_mem>>) src(%dma_wait3A_171 : memref<128xi32, #tpu.memory_space<hbm>>) dst(%arg13 : memref<128xi32, #tpu.memory_space<vmem>>)
        %dma_start3A_172 = arith.constant 0 : i32
        %dma_start3A_173 = arith.constant 0 : i32
        %dma_start3A_174 = tpu.memref_slice %arg2[%dma_start3A_172, %dma_start3A_173] : memref<10000x128xf32, #tpu.memory_space<hbm>> -> memref<10000x128xf32, #tpu.memory_space<hbm>>
        tpu.enqueue_indirect_dma source(%dma_start3A_174 : memref<10000x128xf32, #tpu.memory_space<hbm>>) target(%arg7 : memref<128x128xf32, #tpu.memory_space<vmem>>) offsets(%arg10 : memref<128xi32, #tpu.memory_space<vmem>>) semaphore(%arg16 : memref<!tpu.dma_semaphore, #tpu.memory_space<semaphore_mem>>)
      } else {
      }
      %mul3A_113 = arith.constant 3 : i32
      %mul3A_114 = arith.muli %mul3A_113, %scan3A_96 : i32
      %add3A_115 = arith.constant 1 : i32
      %add3A_116 = arith.addi %mul3A_114, %add3A_115 : i32
      %dma_wait3A_117 = arith.constant 0 : i32
      %dma_wait3A_118 = arith.constant 0 : i32
      %dma_wait3A_119 = tpu.memref_slice %arg2[%dma_wait3A_117, %dma_wait3A_118] : memref<10000x128xf32, #tpu.memory_space<hbm>> -> memref<10000x128xf32, #tpu.memory_space<hbm>>
      tpu.wait_indirect_dma semaphore(%arg17 : memref<!tpu.dma_semaphore, #tpu.memory_space<semaphore_mem>>) src(%dma_wait3A_119 : memref<10000x128xf32, #tpu.memory_space<hbm>>) dst(%arg8 : memref<128x128xf32, #tpu.memory_space<vmem>>)
      %dma_start3A_120 = arith.constant 0 : i32
      %dma_start3A_121 = arith.constant 0 : i32
      %dma_start3A_122 = tpu.memref_slice %arg6[%dma_start3A_120, %dma_start3A_121] : memref<10008x128xf32, #tpu.memory_space<vmem_shared>> -> memref<10008x128xf32, #tpu.memory_space<vmem_shared>>
      tpu.enqueue_indirect_dma source(%arg8 : memref<128x128xf32, #tpu.memory_space<vmem>>) target(%dma_start3A_122 : memref<10008x128xf32, #tpu.memory_space<vmem_shared>>) offsets(%arg14 : memref<128xi32, #tpu.memory_space<vmem>>) semaphore(%arg26 : memref<!tpu.dma_semaphore, #tpu.memory_space<semaphore_mem>>) {add = true}
      %add3A_123 = arith.constant 3 : i32
      %add3A_124 = arith.addi %add3A_116, %add3A_123 : i32
      %lt3A_125 = arith.constant 79 : i32
      %lt3A_126 = arith.cmpi slt, %add3A_124, %lt3A_125 : i32
      %convert_element_type3A_127 = arith.extui %lt3A_126 : i1 to i32
      %cond3A_128 = arith.constant 0 : i32
      %cond3A_129 = arith.cmpi ne, %convert_element_type3A_127, %cond3A_128 : i32
      scf.if %cond3A_129 {
        %add3A_147 = arith.constant 3 : i32
        %add3A_148 = arith.addi %add3A_116, %add3A_147 : i32
        %mul3A_149 = arith.constant 128 : i32
        %mul3A_150 = arith.muli %add3A_148, %mul3A_149 : i32
        %multiple_of3A_151 = tpu.assume_multiple %mul3A_150, 8 : i32
        %add3A_152 = arith.addi %mul3A_2, %multiple_of3A_151 : i32
        %dma_start3A_153 = tpu.memref_slice %arg3[%add3A_152] : memref<323584xi32, #tpu.memory_space<hbm>> -> memref<128xi32, #tpu.memory_space<hbm>>
        %dma_start3A_154 = tpu.memref_slice %arg3[%add3A_152] : memref<323584xi32, #tpu.memory_space<hbm>> -> memref<128xi32, #tpu.memory_space<hbm>>
        tpu.enqueue_dma source(%dma_start3A_154 : memref<128xi32, #tpu.memory_space<hbm>>) target(%arg11 : memref<128xi32, #tpu.memory_space<vmem>>) target_semaphore(%arg20 : memref<!tpu.dma_semaphore, #tpu.memory_space<semaphore_mem>>)
        %mul3A_155 = arith.constant 128 : i32
        %mul3A_156 = arith.muli %add3A_148, %mul3A_155 : i32
        %multiple_of3A_157 = tpu.assume_multiple %mul3A_156, 8 : i32
        %add3A_158 = arith.addi %mul3A_2, %multiple_of3A_157 : i32
        %dma_start3A_159 = tpu.memref_slice %arg4[%add3A_158] : memref<323584xi32, #tpu.memory_space<hbm>> -> memref<128xi32, #tpu.memory_space<hbm>>
        %dma_start3A_160 = tpu.memref_slice %arg4[%add3A_158] : memref<323584xi32, #tpu.memory_space<hbm>> -> memref<128xi32, #tpu.memory_space<hbm>>
        tpu.enqueue_dma source(%dma_start3A_160 : memref<128xi32, #tpu.memory_space<hbm>>) target(%arg14 : memref<128xi32, #tpu.memory_space<vmem>>) target_semaphore(%arg23 : memref<!tpu.dma_semaphore, #tpu.memory_space<semaphore_mem>>)
        %dma_wait3A_161 = arith.constant 0 : i32
        %dma_wait3A_162 = arith.constant 0 : i32
        %dma_wait3A_163 = tpu.memref_slice %arg6[%dma_wait3A_161, %dma_wait3A_162] : memref<10008x128xf32, #tpu.memory_space<vmem_shared>> -> memref<10008x128xf32, #tpu.memory_space<vmem_shared>>
        tpu.wait_indirect_dma semaphore(%arg26 : memref<!tpu.dma_semaphore, #tpu.memory_space<semaphore_mem>>) src(%arg8 : memref<128x128xf32, #tpu.memory_space<vmem>>) dst(%dma_wait3A_163 : memref<10008x128xf32, #tpu.memory_space<vmem_shared>>)
        %dma_wait3A_164 = arith.constant 0 : i32
        %dma_wait3A_165 = tpu.memref_slice %arg3[%dma_wait3A_164] : memref<323584xi32, #tpu.memory_space<hbm>> -> memref<128xi32, #tpu.memory_space<hbm>>
        %dma_wait3A_166 = arith.constant 0 : i32
        %dma_wait3A_167 = tpu.memref_slice %arg3[%dma_wait3A_166] : memref<323584xi32, #tpu.memory_space<hbm>> -> memref<128xi32, #tpu.memory_space<hbm>>
        tpu.wait_dma2 semaphore(%arg20 : memref<!tpu.dma_semaphore, #tpu.memory_space<semaphore_mem>>) src(%dma_wait3A_167 : memref<128xi32, #tpu.memory_space<hbm>>) dst(%arg11 : memref<128xi32, #tpu.memory_space<vmem>>)
        %dma_wait3A_168 = arith.constant 0 : i32
        %dma_wait3A_169 = tpu.memref_slice %arg4[%dma_wait3A_168] : memref<323584xi32, #tpu.memory_space<hbm>> -> memref<128xi32, #tpu.memory_space<hbm>>
        %dma_wait3A_170 = arith.constant 0 : i32
        %dma_wait3A_171 = tpu.memref_slice %arg4[%dma_wait3A_170] : memref<323584xi32, #tpu.memory_space<hbm>> -> memref<128xi32, #tpu.memory_space<hbm>>
        tpu.wait_dma2 semaphore(%arg23 : memref<!tpu.dma_semaphore, #tpu.memory_space<semaphore_mem>>) src(%dma_wait3A_171 : memref<128xi32, #tpu.memory_space<hbm>>) dst(%arg14 : memref<128xi32, #tpu.memory_space<vmem>>)
        %dma_start3A_172 = arith.constant 0 : i32
        %dma_start3A_173 = arith.constant 0 : i32
        %dma_start3A_174 = tpu.memref_slice %arg2[%dma_start3A_172, %dma_start3A_173] : memref<10000x128xf32, #tpu.memory_space<hbm>> -> memref<10000x128xf32, #tpu.memory_space<hbm>>
        tpu.enqueue_indirect_dma source(%dma_start3A_174 : memref<10000x128xf32, #tpu.memory_space<hbm>>) target(%arg8 : memref<128x128xf32, #tpu.memory_space<vmem>>) offsets(%arg11 : memref<128xi32, #tpu.memory_space<vmem>>) semaphore(%arg17 : memref<!tpu.dma_semaphore, #tpu.memory_space<semaphore_mem>>)
      } else {
      }
      %mul3A_130 = arith.constant 3 : i32
      %mul3A_131 = arith.muli %mul3A_130, %scan3A_96 : i32
      %add3A_132 = arith.constant 2 : i32
      %add3A_133 = arith.addi %mul3A_131, %add3A_132 : i32
      %dma_wait3A_134 = arith.constant 0 : i32
      %dma_wait3A_135 = arith.constant 0 : i32
      %dma_wait3A_136 = tpu.memref_slice %arg2[%dma_wait3A_134, %dma_wait3A_135] : memref<10000x128xf32, #tpu.memory_space<hbm>> -> memref<10000x128xf32, #tpu.memory_space<hbm>>
      tpu.wait_indirect_dma semaphore(%arg18 : memref<!tpu.dma_semaphore, #tpu.memory_space<semaphore_mem>>) src(%dma_wait3A_136 : memref<10000x128xf32, #tpu.memory_space<hbm>>) dst(%arg9 : memref<128x128xf32, #tpu.memory_space<vmem>>)
      %dma_start3A_137 = arith.constant 0 : i32
      %dma_start3A_138 = arith.constant 0 : i32
      %dma_start3A_139 = tpu.memref_slice %arg6[%dma_start3A_137, %dma_start3A_138] : memref<10008x128xf32, #tpu.memory_space<vmem_shared>> -> memref<10008x128xf32, #tpu.memory_space<vmem_shared>>
      tpu.enqueue_indirect_dma source(%arg9 : memref<128x128xf32, #tpu.memory_space<vmem>>) target(%dma_start3A_139 : memref<10008x128xf32, #tpu.memory_space<vmem_shared>>) offsets(%arg15 : memref<128xi32, #tpu.memory_space<vmem>>) semaphore(%arg27 : memref<!tpu.dma_semaphore, #tpu.memory_space<semaphore_mem>>) {add = true}
      %add3A_140 = arith.constant 3 : i32
      %add3A_141 = arith.addi %add3A_133, %add3A_140 : i32
      %lt3A_142 = arith.constant 79 : i32
      %lt3A_143 = arith.cmpi slt, %add3A_141, %lt3A_142 : i32
      %convert_element_type3A_144 = arith.extui %lt3A_143 : i1 to i32
      %cond3A_145 = arith.constant 0 : i32
      %cond3A_146 = arith.cmpi ne, %convert_element_type3A_144, %cond3A_145 : i32
      scf.if %cond3A_146 {
        %add3A_147 = arith.constant 3 : i32
        %add3A_148 = arith.addi %add3A_133, %add3A_147 : i32
        %mul3A_149 = arith.constant 128 : i32
        %mul3A_150 = arith.muli %add3A_148, %mul3A_149 : i32
        %multiple_of3A_151 = tpu.assume_multiple %mul3A_150, 8 : i32
        %add3A_152 = arith.addi %mul3A_2, %multiple_of3A_151 : i32
        %dma_start3A_153 = tpu.memref_slice %arg3[%add3A_152] : memref<323584xi32, #tpu.memory_space<hbm>> -> memref<128xi32, #tpu.memory_space<hbm>>
        %dma_start3A_154 = tpu.memref_slice %arg3[%add3A_152] : memref<323584xi32, #tpu.memory_space<hbm>> -> memref<128xi32, #tpu.memory_space<hbm>>
        tpu.enqueue_dma source(%dma_start3A_154 : memref<128xi32, #tpu.memory_space<hbm>>) target(%arg12 : memref<128xi32, #tpu.memory_space<vmem>>) target_semaphore(%arg21 : memref<!tpu.dma_semaphore, #tpu.memory_space<semaphore_mem>>)
        %mul3A_155 = arith.constant 128 : i32
        %mul3A_156 = arith.muli %add3A_148, %mul3A_155 : i32
        %multiple_of3A_157 = tpu.assume_multiple %mul3A_156, 8 : i32
        %add3A_158 = arith.addi %mul3A_2, %multiple_of3A_157 : i32
        %dma_start3A_159 = tpu.memref_slice %arg4[%add3A_158] : memref<323584xi32, #tpu.memory_space<hbm>> -> memref<128xi32, #tpu.memory_space<hbm>>
        %dma_start3A_160 = tpu.memref_slice %arg4[%add3A_158] : memref<323584xi32, #tpu.memory_space<hbm>> -> memref<128xi32, #tpu.memory_space<hbm>>
        tpu.enqueue_dma source(%dma_start3A_160 : memref<128xi32, #tpu.memory_space<hbm>>) target(%arg15 : memref<128xi32, #tpu.memory_space<vmem>>) target_semaphore(%arg24 : memref<!tpu.dma_semaphore, #tpu.memory_space<semaphore_mem>>)
        %dma_wait3A_161 = arith.constant 0 : i32
        %dma_wait3A_162 = arith.constant 0 : i32
        %dma_wait3A_163 = tpu.memref_slice %arg6[%dma_wait3A_161, %dma_wait3A_162] : memref<10008x128xf32, #tpu.memory_space<vmem_shared>> -> memref<10008x128xf32, #tpu.memory_space<vmem_shared>>
        tpu.wait_indirect_dma semaphore(%arg27 : memref<!tpu.dma_semaphore, #tpu.memory_space<semaphore_mem>>) src(%arg9 : memref<128x128xf32, #tpu.memory_space<vmem>>) dst(%dma_wait3A_163 : memref<10008x128xf32, #tpu.memory_space<vmem_shared>>)
        %dma_wait3A_164 = arith.constant 0 : i32
        %dma_wait3A_165 = tpu.memref_slice %arg3[%dma_wait3A_164] : memref<323584xi32, #tpu.memory_space<hbm>> -> memref<128xi32, #tpu.memory_space<hbm>>
        %dma_wait3A_166 = arith.constant 0 : i32
        %dma_wait3A_167 = tpu.memref_slice %arg3[%dma_wait3A_166] : memref<323584xi32, #tpu.memory_space<hbm>> -> memref<128xi32, #tpu.memory_space<hbm>>
        tpu.wait_dma2 semaphore(%arg21 : memref<!tpu.dma_semaphore, #tpu.memory_space<semaphore_mem>>) src(%dma_wait3A_167 : memref<128xi32, #tpu.memory_space<hbm>>) dst(%arg12 : memref<128xi32, #tpu.memory_space<vmem>>)
        %dma_wait3A_168 = arith.constant 0 : i32
        %dma_wait3A_169 = tpu.memref_slice %arg4[%dma_wait3A_168] : memref<323584xi32, #tpu.memory_space<hbm>> -> memref<128xi32, #tpu.memory_space<hbm>>
        %dma_wait3A_170 = arith.constant 0 : i32
        %dma_wait3A_171 = tpu.memref_slice %arg4[%dma_wait3A_170] : memref<323584xi32, #tpu.memory_space<hbm>> -> memref<128xi32, #tpu.memory_space<hbm>>
        tpu.wait_dma2 semaphore(%arg24 : memref<!tpu.dma_semaphore, #tpu.memory_space<semaphore_mem>>) src(%dma_wait3A_171 : memref<128xi32, #tpu.memory_space<hbm>>) dst(%arg15 : memref<128xi32, #tpu.memory_space<vmem>>)
        %dma_start3A_172 = arith.constant 0 : i32
        %dma_start3A_173 = arith.constant 0 : i32
        %dma_start3A_174 = tpu.memref_slice %arg2[%dma_start3A_172, %dma_start3A_173] : memref<10000x128xf32, #tpu.memory_space<hbm>> -> memref<10000x128xf32, #tpu.memory_space<hbm>>
        tpu.enqueue_indirect_dma source(%dma_start3A_174 : memref<10000x128xf32, #tpu.memory_space<hbm>>) target(%arg9 : memref<128x128xf32, #tpu.memory_space<vmem>>) offsets(%arg12 : memref<128xi32, #tpu.memory_space<vmem>>) semaphore(%arg18 : memref<!tpu.dma_semaphore, #tpu.memory_space<semaphore_mem>>)
      } else {
      }
    }
    %scan3A_71 = arith.constant 26 : i32
    %dma_wait3A_72 = arith.constant 0 : i32
    %dma_wait3A_73 = arith.constant 0 : i32
    %dma_wait3A_74 = tpu.memref_slice %arg2[%dma_wait3A_72, %dma_wait3A_73] : memref<10000x128xf32, #tpu.memory_space<hbm>> -> memref<10000x128xf32, #tpu.memory_space<hbm>>
    tpu.wait_indirect_dma semaphore(%arg16 : memref<!tpu.dma_semaphore, #tpu.memory_space<semaphore_mem>>) src(%dma_wait3A_74 : memref<10000x128xf32, #tpu.memory_space<hbm>>) dst(%arg7 : memref<128x128xf32, #tpu.memory_space<vmem>>)
    %dma_start3A_75 = arith.constant 0 : i32
    %dma_start3A_76 = arith.constant 0 : i32
    %dma_start3A_77 = tpu.memref_slice %arg6[%dma_start3A_75, %dma_start3A_76] : memref<10008x128xf32, #tpu.memory_space<vmem_shared>> -> memref<10008x128xf32, #tpu.memory_space<vmem_shared>>
    tpu.enqueue_indirect_dma source(%arg7 : memref<128x128xf32, #tpu.memory_space<vmem>>) target(%dma_start3A_77 : memref<10008x128xf32, #tpu.memory_space<vmem_shared>>) offsets(%arg13 : memref<128xi32, #tpu.memory_space<vmem>>) semaphore(%arg25 : memref<!tpu.dma_semaphore, #tpu.memory_space<semaphore_mem>>) {add = true}
    %dma_wait3A_78 = arith.constant 0 : i32
    %dma_wait3A_79 = arith.constant 0 : i32
    %dma_wait3A_80 = tpu.memref_slice %arg6[%dma_wait3A_78, %dma_wait3A_79] : memref<10008x128xf32, #tpu.memory_space<vmem_shared>> -> memref<10008x128xf32, #tpu.memory_space<vmem_shared>>
    tpu.wait_indirect_dma semaphore(%arg25 : memref<!tpu.dma_semaphore, #tpu.memory_space<semaphore_mem>>) src(%arg7 : memref<128x128xf32, #tpu.memory_space<vmem>>) dst(%dma_wait3A_80 : memref<10008x128xf32, #tpu.memory_space<vmem_shared>>)
    %dma_wait3A_81 = arith.constant 0 : i32
    %dma_wait3A_82 = arith.constant 0 : i32
    %dma_wait3A_83 = tpu.memref_slice %arg6[%dma_wait3A_81, %dma_wait3A_82] : memref<10008x128xf32, #tpu.memory_space<vmem_shared>> -> memref<10008x128xf32, #tpu.memory_space<vmem_shared>>
    tpu.wait_indirect_dma semaphore(%arg26 : memref<!tpu.dma_semaphore, #tpu.memory_space<semaphore_mem>>) src(%arg8 : memref<128x128xf32, #tpu.memory_space<vmem>>) dst(%dma_wait3A_83 : memref<10008x128xf32, #tpu.memory_space<vmem_shared>>)
    %dma_wait3A_84 = arith.constant 0 : i32
    %dma_wait3A_85 = arith.constant 0 : i32
    %dma_wait3A_86 = tpu.memref_slice %arg6[%dma_wait3A_84, %dma_wait3A_85] : memref<10008x128xf32, #tpu.memory_space<vmem_shared>> -> memref<10008x128xf32, #tpu.memory_space<vmem_shared>>
    tpu.wait_indirect_dma semaphore(%arg27 : memref<!tpu.dma_semaphore, #tpu.memory_space<semaphore_mem>>) src(%arg9 : memref<128x128xf32, #tpu.memory_space<vmem>>) dst(%dma_wait3A_86 : memref<10008x128xf32, #tpu.memory_space<vmem_shared>>)
    %barrier3A_87 = arith.constant 0 : index
    tpu.barrier barrier_id(%barrier3A_87)
    %mul3A_88 = arith.constant 10000 : i32
    %mul3A_89 = arith.muli %arg0, %mul3A_88 : i32
    %add3A_90 = arith.addi %mul3A_89, %mul3A_4 : i32
    "tpu.region"() ({
      %run_scoped3A = tpu.sem_alloc : memref<!tpu.dma_semaphore, #tpu.memory_space<semaphore_mem>>
      %dma_start3A_96 = arith.constant 0 : i32
      %dma_start3A_97 = tpu.memref_slice %arg5[%add3A_90, %dma_start3A_96] : memref<20000x128xf32, #tpu.memory_space<hbm>> -> memref<624x128xf32, #tpu.memory_space<hbm>>
      %dma_start3A_98 = arith.constant 0 : i32
      %dma_start3A_99 = tpu.memref_slice %arg6[%mul3A_4, %dma_start3A_98] : memref<10008x128xf32, #tpu.memory_space<vmem_shared>> -> memref<624x128xf32, #tpu.memory_space<vmem_shared>>
      tpu.enqueue_dma source(%dma_start3A_99 : memref<624x128xf32, #tpu.memory_space<vmem_shared>>) target(%dma_start3A_97 : memref<624x128xf32, #tpu.memory_space<hbm>>) target_semaphore(%run_scoped3A : memref<!tpu.dma_semaphore, #tpu.memory_space<semaphore_mem>>)
      %dma_wait3A_100 = arith.constant 0 : i32
      %dma_wait3A_101 = tpu.memref_slice %arg5[%add3A_90, %dma_wait3A_100] : memref<20000x128xf32, #tpu.memory_space<hbm>> -> memref<624x128xf32, #tpu.memory_space<hbm>>
      %dma_wait3A_102 = arith.constant 0 : i32
      %dma_wait3A_103 = tpu.memref_slice %arg6[%mul3A_4, %dma_wait3A_102] : memref<10008x128xf32, #tpu.memory_space<vmem_shared>> -> memref<624x128xf32, #tpu.memory_space<vmem_shared>>
      tpu.wait_dma2 semaphore(%run_scoped3A : memref<!tpu.dma_semaphore, #tpu.memory_space<semaphore_mem>>) src(%dma_wait3A_103 : memref<624x128xf32, #tpu.memory_space<vmem_shared>>) dst(%dma_wait3A_101 : memref<624x128xf32, #tpu.memory_space<hbm>>)
      tpu.yield
    }) : () -> ()
    %eq3A_91 = arith.constant 15 : i32
    %eq3A_92 = arith.cmpi eq, %arg1, %eq3A_91 : i32
    %convert_element_type3A_93 = arith.extui %eq3A_92 : i1 to i32
    %cond3A_94 = arith.constant 0 : i32
    %cond3A_95 = arith.cmpi ne, %convert_element_type3A_93, %cond3A_94 : i32
    scf.if %cond3A_95 {
      %mul3A_96 = arith.constant 10000 : i32
      %mul3A_97 = arith.muli %arg0, %mul3A_96 : i32
      %add3A_98 = arith.constant 9984 : i32
      %add3A_99 = arith.addi %mul3A_97, %add3A_98 : i32
      "tpu.region"() ({
        %run_scoped3A = tpu.sem_alloc : memref<!tpu.dma_semaphore, #tpu.memory_space<semaphore_mem>>
        %dma_start3A_100 = arith.constant 0 : i32
        %dma_start3A_101 = tpu.memref_slice %arg5[%add3A_99, %dma_start3A_100] : memref<20000x128xf32, #tpu.memory_space<hbm>> -> memref<16x128xf32, #tpu.memory_space<hbm>>
        %dma_start3A_102 = arith.constant 9984 : i32
        %dma_start3A_103 = arith.constant 0 : i32
        %dma_start3A_104 = tpu.memref_slice %arg6[%dma_start3A_102, %dma_start3A_103] : memref<10008x128xf32, #tpu.memory_space<vmem_shared>> -> memref<16x128xf32, #tpu.memory_space<vmem_shared>>
        tpu.enqueue_dma source(%dma_start3A_104 : memref<16x128xf32, #tpu.memory_space<vmem_shared>>) target(%dma_start3A_101 : memref<16x128xf32, #tpu.memory_space<hbm>>) target_semaphore(%run_scoped3A : memref<!tpu.dma_semaphore, #tpu.memory_space<semaphore_mem>>)
        %dma_wait3A_105 = arith.constant 0 : i32
        %dma_wait3A_106 = tpu.memref_slice %arg5[%add3A_99, %dma_wait3A_105] : memref<20000x128xf32, #tpu.memory_space<hbm>> -> memref<16x128xf32, #tpu.memory_space<hbm>>
        %dma_wait3A_107 = arith.constant 9984 : i32
        %dma_wait3A_108 = arith.constant 0 : i32
        %dma_wait3A_109 = tpu.memref_slice %arg6[%dma_wait3A_107, %dma_wait3A_108] : memref<10008x128xf32, #tpu.memory_space<vmem_shared>> -> memref<16x128xf32, #tpu.memory_space<vmem_shared>>
        tpu.wait_dma2 semaphore(%run_scoped3A : memref<!tpu.dma_semaphore, #tpu.memory_space<semaphore_mem>>) src(%dma_wait3A_109 : memref<16x128xf32, #tpu.memory_space<vmem_shared>>) dst(%dma_wait3A_106 : memref<16x128xf32, #tpu.memory_space<hbm>>)
        tpu.yield
      }) : () -> ()
    } else {
    }
    return
  }
}

#map = affine_map<(d0, d1) -> (0, 0)>
#map1 = affine_map<(d0, d1) -> (0)>
module attributes {stable_mosaic.version = 14 : i64} {
  func.func @agg(%arg0: i32, %arg1: i32, %arg2: memref<10000x128xf32, #tpu.memory_space<hbm>>, %arg3: memref<323584xi32, #tpu.memory_space<hbm>>, %arg4: memref<323584xi32, #tpu.memory_space<hbm>>, %arg5: memref<20000x128xf32, #tpu.memory_space<hbm>>, %arg6: memref<10008x128xf32, #tpu.memory_space<vmem_shared>>, %arg7: memref<128x128xf32, #tpu.memory_space<vmem>>, %arg8: memref<128x128xf32, #tpu.memory_space<vmem>>, %arg9: memref<128x128xf32, #tpu.memory_space<vmem>>, %arg10: memref<128xi32, #tpu.memory_space<vmem>>, %arg11: memref<128xi32, #tpu.memory_space<vmem>>, %arg12: memref<128xi32, #tpu.memory_space<vmem>>, %arg13: memref<128xi32, #tpu.memory_space<vmem>>, %arg14: memref<128xi32, #tpu.memory_space<vmem>>, %arg15: memref<128xi32, #tpu.memory_space<vmem>>, %arg16: memref<!tpu.dma_semaphore, #tpu.memory_space<semaphore_mem>>, %arg17: memref<!tpu.dma_semaphore, #tpu.memory_space<semaphore_mem>>, %arg18: memref<!tpu.dma_semaphore, #tpu.memory_space<semaphore_mem>>, %arg19: memref<!tpu.dma_semaphore, #tpu.memory_space<semaphore_mem>>, %arg20: memref<!tpu.dma_semaphore, #tpu.memory_space<semaphore_mem>>, %arg21: memref<!tpu.dma_semaphore, #tpu.memory_space<semaphore_mem>>, %arg22: memref<!tpu.dma_semaphore, #tpu.memory_space<semaphore_mem>>, %arg23: memref<!tpu.dma_semaphore, #tpu.memory_space<semaphore_mem>>, %arg24: memref<!tpu.dma_semaphore, #tpu.memory_space<semaphore_mem>>, %arg25: memref<!tpu.dma_semaphore, #tpu.memory_space<semaphore_mem>>, %arg26: memref<!tpu.dma_semaphore, #tpu.memory_space<semaphore_mem>>, %arg27: memref<!tpu.dma_semaphore, #tpu.memory_space<semaphore_mem>>) attributes {dimension_semantics = [#tpu.dimension_semantics<core_parallel>, #tpu.dimension_semantics<subcore_parallel>], iteration_bounds = array<i64: 2, 16>, scalar_prefetch = 0 : i64, scratch_operands = 22 : i64, tpu.core_type = #tpu.core_type<sc_vector_subcore>, window_params = [{transform_indices = #map}, {transform_indices = #map1}, {transform_indices = #map1}, {transform_indices = #map}]} {
    %mul3A = arith.constant 16 : i32
    %mul3A_0 = arith.muli %arg0, %mul3A : i32
    %add3A = arith.addi %mul3A_0, %arg1 : i32
    %mul3A_1 = arith.constant 10112 : i32
    %mul3A_2 = arith.muli %add3A, %mul3A_1 : i32
    %mul3A_3 = arith.constant 624 : i32
    %mul3A_4 = arith.muli %arg1, %mul3A_3 : i32
    "tpu.region"() ({
      %run_scoped3A = tpu.sem_alloc : memref<!tpu.dma_semaphore, #tpu.memory_space<semaphore_mem>>
      %dma_start3A_96 = arith.constant 0 : i32
      %dma_start3A_97 = tpu.memref_slice %arg6[%mul3A_4, %dma_start3A_96] : memref<10008x128xf32, #tpu.memory_space<vmem_shared>> -> memref<624x128xf32, #tpu.memory_space<vmem_shared>>
      %dma_start3A_98 = arith.constant 0 : i32
      %dma_start3A_99 = tpu.memref_slice %arg2[%mul3A_4, %dma_start3A_98] : memref<10000x128xf32, #tpu.memory_space<hbm>> -> memref<624x128xf32, #tpu.memory_space<hbm>>
      tpu.enqueue_dma source(%dma_start3A_99 : memref<624x128xf32, #tpu.memory_space<hbm>>) target(%dma_start3A_97 : memref<624x128xf32, #tpu.memory_space<vmem_shared>>) target_semaphore(%run_scoped3A : memref<!tpu.dma_semaphore, #tpu.memory_space<semaphore_mem>>)
      %dma_wait3A_100 = arith.constant 0 : i32
      %dma_wait3A_101 = tpu.memref_slice %arg6[%mul3A_4, %dma_wait3A_100] : memref<10008x128xf32, #tpu.memory_space<vmem_shared>> -> memref<624x128xf32, #tpu.memory_space<vmem_shared>>
      %dma_wait3A_102 = arith.constant 0 : i32
      %dma_wait3A_103 = tpu.memref_slice %arg2[%mul3A_4, %dma_wait3A_102] : memref<10000x128xf32, #tpu.memory_space<hbm>> -> memref<624x128xf32, #tpu.memory_space<hbm>>
      tpu.wait_dma2 semaphore(%run_scoped3A : memref<!tpu.dma_semaphore, #tpu.memory_space<semaphore_mem>>) src(%dma_wait3A_103 : memref<624x128xf32, #tpu.memory_space<hbm>>) dst(%dma_wait3A_101 : memref<624x128xf32, #tpu.memory_space<vmem_shared>>)
      tpu.yield
    }) : () -> ()
    %eq3A = arith.constant 15 : i32
    %eq3A_5 = arith.cmpi eq, %arg1, %eq3A : i32
    %convert_element_type3A = arith.extui %eq3A_5 : i1 to i32
    %cond3A = arith.constant 0 : i32
    %cond3A_6 = arith.cmpi ne, %convert_element_type3A, %cond3A : i32
    scf.if %cond3A_6 {
      "tpu.region"() ({
        %run_scoped3A = tpu.sem_alloc : memref<!tpu.dma_semaphore, #tpu.memory_space<semaphore_mem>>
        %dma_start3A_96 = arith.constant 9984 : i32
        %dma_start3A_97 = arith.constant 0 : i32
        %dma_start3A_98 = tpu.memref_slice %arg6[%dma_start3A_96, %dma_start3A_97] : memref<10008x128xf32, #tpu.memory_space<vmem_shared>> -> memref<16x128xf32, #tpu.memory_space<vmem_shared>>
        %dma_start3A_99 = arith.constant 9984 : i32
        %dma_start3A_100 = arith.constant 0 : i32
        %dma_start3A_101 = tpu.memref_slice %arg2[%dma_start3A_99, %dma_start3A_100] : memref<10000x128xf32, #tpu.memory_space<hbm>> -> memref<16x128xf32, #tpu.memory_space<hbm>>
        tpu.enqueue_dma source(%dma_start3A_101 : memref<16x128xf32, #tpu.memory_space<hbm>>) target(%dma_start3A_98 : memref<16x128xf32, #tpu.memory_space<vmem_shared>>) target_semaphore(%run_scoped3A : memref<!tpu.dma_semaphore, #tpu.memory_space<semaphore_mem>>)
        %dma_wait3A_102 = arith.constant 9984 : i32
        %dma_wait3A_103 = arith.constant 0 : i32
        %dma_wait3A_104 = tpu.memref_slice %arg6[%dma_wait3A_102, %dma_wait3A_103] : memref<10008x128xf32, #tpu.memory_space<vmem_shared>> -> memref<16x128xf32, #tpu.memory_space<vmem_shared>>
        %dma_wait3A_105 = arith.constant 9984 : i32
        %dma_wait3A_106 = arith.constant 0 : i32
        %dma_wait3A_107 = tpu.memref_slice %arg2[%dma_wait3A_105, %dma_wait3A_106] : memref<10000x128xf32, #tpu.memory_space<hbm>> -> memref<16x128xf32, #tpu.memory_space<hbm>>
        tpu.wait_dma2 semaphore(%run_scoped3A : memref<!tpu.dma_semaphore, #tpu.memory_space<semaphore_mem>>) src(%dma_wait3A_107 : memref<16x128xf32, #tpu.memory_space<hbm>>) dst(%dma_wait3A_104 : memref<16x128xf32, #tpu.memory_space<vmem_shared>>)
        tpu.yield
      }) : () -> ()
    } else {
    }
    %barrier3A = arith.constant 0 : index
    tpu.barrier barrier_id(%barrier3A)
    %multiple_of3A = arith.constant 0 : i32
    %multiple_of3A_7 = tpu.assume_multiple %multiple_of3A, 8 : i32
    %add3A_8 = arith.addi %mul3A_2, %multiple_of3A_7 : i32
    %dma_start3A = tpu.memref_slice %arg3[%add3A_8] : memref<323584xi32, #tpu.memory_space<hbm>> -> memref<128xi32, #tpu.memory_space<hbm>>
    %dma_start3A_9 = tpu.memref_slice %arg3[%add3A_8] : memref<323584xi32, #tpu.memory_space<hbm>> -> memref<128xi32, #tpu.memory_space<hbm>>
    tpu.enqueue_dma source(%dma_start3A_9 : memref<128xi32, #tpu.memory_space<hbm>>) target(%arg10 : memref<128xi32, #tpu.memory_space<vmem>>) target_semaphore(%arg19 : memref<!tpu.dma_semaphore, #tpu.memory_space<semaphore_mem>>)
    %multiple_of3A_10 = arith.constant 0 : i32
    %multiple_of3A_11 = tpu.assume_multiple %multiple_of3A_10, 8 : i32
    %add3A_12 = arith.addi %mul3A_2, %multiple_of3A_11 : i32
    %dma_start3A_13 = tpu.memref_slice %arg4[%add3A_12] : memref<323584xi32, #tpu.memory_space<hbm>> -> memref<128xi32, #tpu.memory_space<hbm>>
    %dma_start3A_14 = tpu.memref_slice %arg4[%add3A_12] : memref<323584xi32, #tpu.memory_space<hbm>> -> memref<128xi32, #tpu.memory_space<hbm>>
    tpu.enqueue_dma source(%dma_start3A_14 : memref<128xi32, #tpu.memory_space<hbm>>) target(%arg13 : memref<128xi32, #tpu.memory_space<vmem>>) target_semaphore(%arg22 : memref<!tpu.dma_semaphore, #tpu.memory_space<semaphore_mem>>)
    %multiple_of3A_15 = arith.constant 128 : i32
    %multiple_of3A_16 = tpu.assume_multiple %multiple_of3A_15, 8 : i32
    %add3A_17 = arith.addi %mul3A_2, %multiple_of3A_16 : i32
    %dma_start3A_18 = tpu.memref_slice %arg3[%add3A_17] : memref<323584xi32, #tpu.memory_space<hbm>> -> memref<128xi32, #tpu.memory_space<hbm>>
    %dma_start3A_19 = tpu.memref_slice %arg3[%add3A_17] : memref<323584xi32, #tpu.memory_space<hbm>> -> memref<128xi32, #tpu.memory_space<hbm>>
    tpu.enqueue_dma source(%dma_start3A_19 : memref<128xi32, #tpu.memory_space<hbm>>) target(%arg11 : memref<128xi32, #tpu.memory_space<vmem>>) target_semaphore(%arg20 : memref<!tpu.dma_semaphore, #tpu.memory_space<semaphore_mem>>)
    %multiple_of3A_20 = arith.constant 128 : i32
    %multiple_of3A_21 = tpu.assume_multiple %multiple_of3A_20, 8 : i32
    %add3A_22 = arith.addi %mul3A_2, %multiple_of3A_21 : i32
    %dma_start3A_23 = tpu.memref_slice %arg4[%add3A_22] : memref<323584xi32, #tpu.memory_space<hbm>> -> memref<128xi32, #tpu.memory_space<hbm>>
    %dma_start3A_24 = tpu.memref_slice %arg4[%add3A_22] : memref<323584xi32, #tpu.memory_space<hbm>> -> memref<128xi32, #tpu.memory_space<hbm>>
    tpu.enqueue_dma source(%dma_start3A_24 : memref<128xi32, #tpu.memory_space<hbm>>) target(%arg14 : memref<128xi32, #tpu.memory_space<vmem>>) target_semaphore(%arg23 : memref<!tpu.dma_semaphore, #tpu.memory_space<semaphore_mem>>)
    %multiple_of3A_25 = arith.constant 256 : i32
    %multiple_of3A_26 = tpu.assume_multiple %multiple_of3A_25, 8 : i32
    %add3A_27 = arith.addi %mul3A_2, %multiple_of3A_26 : i32
    %dma_start3A_28 = tpu.memref_slice %arg3[%add3A_27] : memref<323584xi32, #tpu.memory_space<hbm>> -> memref<128xi32, #tpu.memory_space<hbm>>
    %dma_start3A_29 = tpu.memref_slice %arg3[%add3A_27] : memref<323584xi32, #tpu.memory_space<hbm>> -> memref<128xi32, #tpu.memory_space<hbm>>
    tpu.enqueue_dma source(%dma_start3A_29 : memref<128xi32, #tpu.memory_space<hbm>>) target(%arg12 : memref<128xi32, #tpu.memory_space<vmem>>) target_semaphore(%arg21 : memref<!tpu.dma_semaphore, #tpu.memory_space<semaphore_mem>>)
    %multiple_of3A_30 = arith.constant 256 : i32
    %multiple_of3A_31 = tpu.assume_multiple %multiple_of3A_30, 8 : i32
    %add3A_32 = arith.addi %mul3A_2, %multiple_of3A_31 : i32
    %dma_start3A_33 = tpu.memref_slice %arg4[%add3A_32] : memref<323584xi32, #tpu.memory_space<hbm>> -> memref<128xi32, #tpu.memory_space<hbm>>
    %dma_start3A_34 = tpu.memref_slice %arg4[%add3A_32] : memref<323584xi32, #tpu.memory_space<hbm>> -> memref<128xi32, #tpu.memory_space<hbm>>
    tpu.enqueue_dma source(%dma_start3A_34 : memref<128xi32, #tpu.memory_space<hbm>>) target(%arg15 : memref<128xi32, #tpu.memory_space<vmem>>) target_semaphore(%arg24 : memref<!tpu.dma_semaphore, #tpu.memory_space<semaphore_mem>>)
    %dma_wait3A = arith.constant 0 : i32
    %dma_wait3A_35 = tpu.memref_slice %arg3[%dma_wait3A] : memref<323584xi32, #tpu.memory_space<hbm>> -> memref<128xi32, #tpu.memory_space<hbm>>
    %dma_wait3A_36 = arith.constant 0 : i32
    %dma_wait3A_37 = tpu.memref_slice %arg3[%dma_wait3A_36] : memref<323584xi32, #tpu.memory_space<hbm>> -> memref<128xi32, #tpu.memory_space<hbm>>
    tpu.wait_dma2 semaphore(%arg19 : memref<!tpu.dma_semaphore, #tpu.memory_space<semaphore_mem>>) src(%dma_wait3A_37 : memref<128xi32, #tpu.memory_space<hbm>>) dst(%arg10 : memref<128xi32, #tpu.memory_space<vmem>>)
    %dma_wait3A_38 = arith.constant 0 : i32
    %dma_wait3A_39 = tpu.memref_slice %arg4[%dma_wait3A_38] : memref<323584xi32, #tpu.memory_space<hbm>> -> memref<128xi32, #tpu.memory_space<hbm>>
    %dma_wait3A_40 = arith.constant 0 : i32
    %dma_wait3A_41 = tpu.memref_slice %arg4[%dma_wait3A_40] : memref<323584xi32, #tpu.memory_space<hbm>> -> memref<128xi32, #tpu.memory_space<hbm>>
    tpu.wait_dma2 semaphore(%arg22 : memref<!tpu.dma_semaphore, #tpu.memory_space<semaphore_mem>>) src(%dma_wait3A_41 : memref<128xi32, #tpu.memory_space<hbm>>) dst(%arg13 : memref<128xi32, #tpu.memory_space<vmem>>)
    %dma_start3A_42 = arith.constant 0 : i32
    %dma_start3A_43 = arith.constant 0 : i32
    %dma_start3A_44 = tpu.memref_slice %arg2[%dma_start3A_42, %dma_start3A_43] : memref<10000x128xf32, #tpu.memory_space<hbm>> -> memref<10000x128xf32, #tpu.memory_space<hbm>>
    tpu.enqueue_indirect_dma source(%dma_start3A_44 : memref<10000x128xf32, #tpu.memory_space<hbm>>) target(%arg7 : memref<128x128xf32, #tpu.memory_space<vmem>>) offsets(%arg10 : memref<128xi32, #tpu.memory_space<vmem>>) semaphore(%arg16 : memref<!tpu.dma_semaphore, #tpu.memory_space<semaphore_mem>>)
    %dma_wait3A_45 = arith.constant 0 : i32
    %dma_wait3A_46 = tpu.memref_slice %arg3[%dma_wait3A_45] : memref<323584xi32, #tpu.memory_space<hbm>> -> memref<128xi32, #tpu.memory_space<hbm>>
    %dma_wait3A_47 = arith.constant 0 : i32
    %dma_wait3A_48 = tpu.memref_slice %arg3[%dma_wait3A_47] : memref<323584xi32, #tpu.memory_space<hbm>> -> memref<128xi32, #tpu.memory_space<hbm>>
    tpu.wait_dma2 semaphore(%arg20 : memref<!tpu.dma_semaphore, #tpu.memory_space<semaphore_mem>>) src(%dma_wait3A_48 : memref<128xi32, #tpu.memory_space<hbm>>) dst(%arg11 : memref<128xi32, #tpu.memory_space<vmem>>)
    %dma_wait3A_49 = arith.constant 0 : i32
    %dma_wait3A_50 = tpu.memref_slice %arg4[%dma_wait3A_49] : memref<323584xi32, #tpu.memory_space<hbm>> -> memref<128xi32, #tpu.memory_space<hbm>>
    %dma_wait3A_51 = arith.constant 0 : i32
    %dma_wait3A_52 = tpu.memref_slice %arg4[%dma_wait3A_51] : memref<323584xi32, #tpu.memory_space<hbm>> -> memref<128xi32, #tpu.memory_space<hbm>>
    tpu.wait_dma2 semaphore(%arg23 : memref<!tpu.dma_semaphore, #tpu.memory_space<semaphore_mem>>) src(%dma_wait3A_52 : memref<128xi32, #tpu.memory_space<hbm>>) dst(%arg14 : memref<128xi32, #tpu.memory_space<vmem>>)
    %dma_start3A_53 = arith.constant 0 : i32
    %dma_start3A_54 = arith.constant 0 : i32
    %dma_start3A_55 = tpu.memref_slice %arg2[%dma_start3A_53, %dma_start3A_54] : memref<10000x128xf32, #tpu.memory_space<hbm>> -> memref<10000x128xf32, #tpu.memory_space<hbm>>
    tpu.enqueue_indirect_dma source(%dma_start3A_55 : memref<10000x128xf32, #tpu.memory_space<hbm>>) target(%arg8 : memref<128x128xf32, #tpu.memory_space<vmem>>) offsets(%arg11 : memref<128xi32, #tpu.memory_space<vmem>>) semaphore(%arg17 : memref<!tpu.dma_semaphore, #tpu.memory_space<semaphore_mem>>)
    %dma_wait3A_56 = arith.constant 0 : i32
    %dma_wait3A_57 = tpu.memref_slice %arg3[%dma_wait3A_56] : memref<323584xi32, #tpu.memory_space<hbm>> -> memref<128xi32, #tpu.memory_space<hbm>>
    %dma_wait3A_58 = arith.constant 0 : i32
    %dma_wait3A_59 = tpu.memref_slice %arg3[%dma_wait3A_58] : memref<323584xi32, #tpu.memory_space<hbm>> -> memref<128xi32, #tpu.memory_space<hbm>>
    tpu.wait_dma2 semaphore(%arg21 : memref<!tpu.dma_semaphore, #tpu.memory_space<semaphore_mem>>) src(%dma_wait3A_59 : memref<128xi32, #tpu.memory_space<hbm>>) dst(%arg12 : memref<128xi32, #tpu.memory_space<vmem>>)
    %dma_wait3A_60 = arith.constant 0 : i32
    %dma_wait3A_61 = tpu.memref_slice %arg4[%dma_wait3A_60] : memref<323584xi32, #tpu.memory_space<hbm>> -> memref<128xi32, #tpu.memory_space<hbm>>
    %dma_wait3A_62 = arith.constant 0 : i32
    %dma_wait3A_63 = tpu.memref_slice %arg4[%dma_wait3A_62] : memref<323584xi32, #tpu.memory_space<hbm>> -> memref<128xi32, #tpu.memory_space<hbm>>
    tpu.wait_dma2 semaphore(%arg24 : memref<!tpu.dma_semaphore, #tpu.memory_space<semaphore_mem>>) src(%dma_wait3A_63 : memref<128xi32, #tpu.memory_space<hbm>>) dst(%arg15 : memref<128xi32, #tpu.memory_space<vmem>>)
    %dma_start3A_64 = arith.constant 0 : i32
    %dma_start3A_65 = arith.constant 0 : i32
    %dma_start3A_66 = tpu.memref_slice %arg2[%dma_start3A_64, %dma_start3A_65] : memref<10000x128xf32, #tpu.memory_space<hbm>> -> memref<10000x128xf32, #tpu.memory_space<hbm>>
    tpu.enqueue_indirect_dma source(%dma_start3A_66 : memref<10000x128xf32, #tpu.memory_space<hbm>>) target(%arg9 : memref<128x128xf32, #tpu.memory_space<vmem>>) offsets(%arg12 : memref<128xi32, #tpu.memory_space<vmem>>) semaphore(%arg18 : memref<!tpu.dma_semaphore, #tpu.memory_space<semaphore_mem>>)
    %scan3A = arith.constant 0 : i32
    %scan3A_67 = arith.constant 0 : i32
    %scan3A_68 = arith.constant 26 : i32
    %scan3A_69 = arith.addi %scan3A_67, %scan3A_68 : i32
    %scan3A_70 = arith.constant 1 : i32
    scf.for %scan3A_96 = %scan3A_67 to %scan3A_69 step %scan3A_70  : i32 {
      %mul3A_97 = arith.constant 3 : i32
      %mul3A_98 = arith.muli %mul3A_97, %scan3A_96 : i32
      %add3A_99 = arith.constant 0 : i32
      %add3A_100 = arith.addi %mul3A_98, %add3A_99 : i32
      %dma_wait3A_101 = arith.constant 0 : i32
      %dma_wait3A_102 = arith.constant 0 : i32
      %dma_wait3A_103 = tpu.memref_slice %arg2[%dma_wait3A_101, %dma_wait3A_102] : memref<10000x128xf32, #tpu.memory_space<hbm>> -> memref<10000x128xf32, #tpu.memory_space<hbm>>
      tpu.wait_indirect_dma semaphore(%arg16 : memref<!tpu.dma_semaphore, #tpu.memory_space<semaphore_mem>>) src(%dma_wait3A_103 : memref<10000x128xf32, #tpu.memory_space<hbm>>) dst(%arg7 : memref<128x128xf32, #tpu.memory_space<vmem>>)
      %dma_start3A_104 = arith.constant 0 : i32
      %dma_start3A_105 = arith.constant 0 : i32
      %dma_start3A_106 = tpu.memref_slice %arg6[%dma_start3A_104, %dma_start3A_105] : memref<10008x128xf32, #tpu.memory_space<vmem_shared>> -> memref<10008x128xf32, #tpu.memory_space<vmem_shared>>
      tpu.enqueue_indirect_dma source(%arg7 : memref<128x128xf32, #tpu.memory_space<vmem>>) target(%dma_start3A_106 : memref<10008x128xf32, #tpu.memory_space<vmem_shared>>) offsets(%arg13 : memref<128xi32, #tpu.memory_space<vmem>>) semaphore(%arg25 : memref<!tpu.dma_semaphore, #tpu.memory_space<semaphore_mem>>) {add = true}
      %add3A_107 = arith.constant 3 : i32
      %add3A_108 = arith.addi %add3A_100, %add3A_107 : i32
      %lt3A = arith.constant 79 : i32
      %lt3A_109 = arith.cmpi slt, %add3A_108, %lt3A : i32
      %convert_element_type3A_110 = arith.extui %lt3A_109 : i1 to i32
      %cond3A_111 = arith.constant 0 : i32
      %cond3A_112 = arith.cmpi ne, %convert_element_type3A_110, %cond3A_111 : i32
      scf.if %cond3A_112 {
        %add3A_147 = arith.constant 3 : i32
        %add3A_148 = arith.addi %add3A_100, %add3A_147 : i32
        %mul3A_149 = arith.constant 128 : i32
        %mul3A_150 = arith.muli %add3A_148, %mul3A_149 : i32
        %multiple_of3A_151 = tpu.assume_multiple %mul3A_150, 8 : i32
        %add3A_152 = arith.addi %mul3A_2, %multiple_of3A_151 : i32
        %dma_start3A_153 = tpu.memref_slice %arg3[%add3A_152] : memref<323584xi32, #tpu.memory_space<hbm>> -> memref<128xi32, #tpu.memory_space<hbm>>
        %dma_start3A_154 = tpu.memref_slice %arg3[%add3A_152] : memref<323584xi32, #tpu.memory_space<hbm>> -> memref<128xi32, #tpu.memory_space<hbm>>
        tpu.enqueue_dma source(%dma_start3A_154 : memref<128xi32, #tpu.memory_space<hbm>>) target(%arg10 : memref<128xi32, #tpu.memory_space<vmem>>) target_semaphore(%arg19 : memref<!tpu.dma_semaphore, #tpu.memory_space<semaphore_mem>>)
        %mul3A_155 = arith.constant 128 : i32
        %mul3A_156 = arith.muli %add3A_148, %mul3A_155 : i32
        %multiple_of3A_157 = tpu.assume_multiple %mul3A_156, 8 : i32
        %add3A_158 = arith.addi %mul3A_2, %multiple_of3A_157 : i32
        %dma_start3A_159 = tpu.memref_slice %arg4[%add3A_158] : memref<323584xi32, #tpu.memory_space<hbm>> -> memref<128xi32, #tpu.memory_space<hbm>>
        %dma_start3A_160 = tpu.memref_slice %arg4[%add3A_158] : memref<323584xi32, #tpu.memory_space<hbm>> -> memref<128xi32, #tpu.memory_space<hbm>>
        tpu.enqueue_dma source(%dma_start3A_160 : memref<128xi32, #tpu.memory_space<hbm>>) target(%arg13 : memref<128xi32, #tpu.memory_space<vmem>>) target_semaphore(%arg22 : memref<!tpu.dma_semaphore, #tpu.memory_space<semaphore_mem>>)
        %dma_wait3A_161 = arith.constant 0 : i32
        %dma_wait3A_162 = arith.constant 0 : i32
        %dma_wait3A_163 = tpu.memref_slice %arg6[%dma_wait3A_161, %dma_wait3A_162] : memref<10008x128xf32, #tpu.memory_space<vmem_shared>> -> memref<10008x128xf32, #tpu.memory_space<vmem_shared>>
        tpu.wait_indirect_dma semaphore(%arg25 : memref<!tpu.dma_semaphore, #tpu.memory_space<semaphore_mem>>) src(%arg7 : memref<128x128xf32, #tpu.memory_space<vmem>>) dst(%dma_wait3A_163 : memref<10008x128xf32, #tpu.memory_space<vmem_shared>>)
        %dma_wait3A_164 = arith.constant 0 : i32
        %dma_wait3A_165 = tpu.memref_slice %arg3[%dma_wait3A_164] : memref<323584xi32, #tpu.memory_space<hbm>> -> memref<128xi32, #tpu.memory_space<hbm>>
        %dma_wait3A_166 = arith.constant 0 : i32
        %dma_wait3A_167 = tpu.memref_slice %arg3[%dma_wait3A_166] : memref<323584xi32, #tpu.memory_space<hbm>> -> memref<128xi32, #tpu.memory_space<hbm>>
        tpu.wait_dma2 semaphore(%arg19 : memref<!tpu.dma_semaphore, #tpu.memory_space<semaphore_mem>>) src(%dma_wait3A_167 : memref<128xi32, #tpu.memory_space<hbm>>) dst(%arg10 : memref<128xi32, #tpu.memory_space<vmem>>)
        %dma_wait3A_168 = arith.constant 0 : i32
        %dma_wait3A_169 = tpu.memref_slice %arg4[%dma_wait3A_168] : memref<323584xi32, #tpu.memory_space<hbm>> -> memref<128xi32, #tpu.memory_space<hbm>>
        %dma_wait3A_170 = arith.constant 0 : i32
        %dma_wait3A_171 = tpu.memref_slice %arg4[%dma_wait3A_170] : memref<323584xi32, #tpu.memory_space<hbm>> -> memref<128xi32, #tpu.memory_space<hbm>>
        tpu.wait_dma2 semaphore(%arg22 : memref<!tpu.dma_semaphore, #tpu.memory_space<semaphore_mem>>) src(%dma_wait3A_171 : memref<128xi32, #tpu.memory_space<hbm>>) dst(%arg13 : memref<128xi32, #tpu.memory_space<vmem>>)
        %dma_start3A_172 = arith.constant 0 : i32
        %dma_start3A_173 = arith.constant 0 : i32
        %dma_start3A_174 = tpu.memref_slice %arg2[%dma_start3A_172, %dma_start3A_173] : memref<10000x128xf32, #tpu.memory_space<hbm>> -> memref<10000x128xf32, #tpu.memory_space<hbm>>
        tpu.enqueue_indirect_dma source(%dma_start3A_174 : memref<10000x128xf32, #tpu.memory_space<hbm>>) target(%arg7 : memref<128x128xf32, #tpu.memory_space<vmem>>) offsets(%arg10 : memref<128xi32, #tpu.memory_space<vmem>>) semaphore(%arg16 : memref<!tpu.dma_semaphore, #tpu.memory_space<semaphore_mem>>)
      } else {
      }
      %mul3A_113 = arith.constant 3 : i32
      %mul3A_114 = arith.muli %mul3A_113, %scan3A_96 : i32
      %add3A_115 = arith.constant 1 : i32
      %add3A_116 = arith.addi %mul3A_114, %add3A_115 : i32
      %dma_wait3A_117 = arith.constant 0 : i32
      %dma_wait3A_118 = arith.constant 0 : i32
      %dma_wait3A_119 = tpu.memref_slice %arg2[%dma_wait3A_117, %dma_wait3A_118] : memref<10000x128xf32, #tpu.memory_space<hbm>> -> memref<10000x128xf32, #tpu.memory_space<hbm>>
      tpu.wait_indirect_dma semaphore(%arg17 : memref<!tpu.dma_semaphore, #tpu.memory_space<semaphore_mem>>) src(%dma_wait3A_119 : memref<10000x128xf32, #tpu.memory_space<hbm>>) dst(%arg8 : memref<128x128xf32, #tpu.memory_space<vmem>>)
      %dma_start3A_120 = arith.constant 0 : i32
      %dma_start3A_121 = arith.constant 0 : i32
      %dma_start3A_122 = tpu.memref_slice %arg6[%dma_start3A_120, %dma_start3A_121] : memref<10008x128xf32, #tpu.memory_space<vmem_shared>> -> memref<10008x128xf32, #tpu.memory_space<vmem_shared>>
      tpu.enqueue_indirect_dma source(%arg8 : memref<128x128xf32, #tpu.memory_space<vmem>>) target(%dma_start3A_122 : memref<10008x128xf32, #tpu.memory_space<vmem_shared>>) offsets(%arg14 : memref<128xi32, #tpu.memory_space<vmem>>) semaphore(%arg26 : memref<!tpu.dma_semaphore, #tpu.memory_space<semaphore_mem>>) {add = true}
      %add3A_123 = arith.constant 3 : i32
      %add3A_124 = arith.addi %add3A_116, %add3A_123 : i32
      %lt3A_125 = arith.constant 79 : i32
      %lt3A_126 = arith.cmpi slt, %add3A_124, %lt3A_125 : i32
      %convert_element_type3A_127 = arith.extui %lt3A_126 : i1 to i32
      %cond3A_128 = arith.constant 0 : i32
      %cond3A_129 = arith.cmpi ne, %convert_element_type3A_127, %cond3A_128 : i32
      scf.if %cond3A_129 {
        %add3A_147 = arith.constant 3 : i32
        %add3A_148 = arith.addi %add3A_116, %add3A_147 : i32
        %mul3A_149 = arith.constant 128 : i32
        %mul3A_150 = arith.muli %add3A_148, %mul3A_149 : i32
        %multiple_of3A_151 = tpu.assume_multiple %mul3A_150, 8 : i32
        %add3A_152 = arith.addi %mul3A_2, %multiple_of3A_151 : i32
        %dma_start3A_153 = tpu.memref_slice %arg3[%add3A_152] : memref<323584xi32, #tpu.memory_space<hbm>> -> memref<128xi32, #tpu.memory_space<hbm>>
        %dma_start3A_154 = tpu.memref_slice %arg3[%add3A_152] : memref<323584xi32, #tpu.memory_space<hbm>> -> memref<128xi32, #tpu.memory_space<hbm>>
        tpu.enqueue_dma source(%dma_start3A_154 : memref<128xi32, #tpu.memory_space<hbm>>) target(%arg11 : memref<128xi32, #tpu.memory_space<vmem>>) target_semaphore(%arg20 : memref<!tpu.dma_semaphore, #tpu.memory_space<semaphore_mem>>)
        %mul3A_155 = arith.constant 128 : i32
        %mul3A_156 = arith.muli %add3A_148, %mul3A_155 : i32
        %multiple_of3A_157 = tpu.assume_multiple %mul3A_156, 8 : i32
        %add3A_158 = arith.addi %mul3A_2, %multiple_of3A_157 : i32
        %dma_start3A_159 = tpu.memref_slice %arg4[%add3A_158] : memref<323584xi32, #tpu.memory_space<hbm>> -> memref<128xi32, #tpu.memory_space<hbm>>
        %dma_start3A_160 = tpu.memref_slice %arg4[%add3A_158] : memref<323584xi32, #tpu.memory_space<hbm>> -> memref<128xi32, #tpu.memory_space<hbm>>
        tpu.enqueue_dma source(%dma_start3A_160 : memref<128xi32, #tpu.memory_space<hbm>>) target(%arg14 : memref<128xi32, #tpu.memory_space<vmem>>) target_semaphore(%arg23 : memref<!tpu.dma_semaphore, #tpu.memory_space<semaphore_mem>>)
        %dma_wait3A_161 = arith.constant 0 : i32
        %dma_wait3A_162 = arith.constant 0 : i32
        %dma_wait3A_163 = tpu.memref_slice %arg6[%dma_wait3A_161, %dma_wait3A_162] : memref<10008x128xf32, #tpu.memory_space<vmem_shared>> -> memref<10008x128xf32, #tpu.memory_space<vmem_shared>>
        tpu.wait_indirect_dma semaphore(%arg26 : memref<!tpu.dma_semaphore, #tpu.memory_space<semaphore_mem>>) src(%arg8 : memref<128x128xf32, #tpu.memory_space<vmem>>) dst(%dma_wait3A_163 : memref<10008x128xf32, #tpu.memory_space<vmem_shared>>)
        %dma_wait3A_164 = arith.constant 0 : i32
        %dma_wait3A_165 = tpu.memref_slice %arg3[%dma_wait3A_164] : memref<323584xi32, #tpu.memory_space<hbm>> -> memref<128xi32, #tpu.memory_space<hbm>>
        %dma_wait3A_166 = arith.constant 0 : i32
        %dma_wait3A_167 = tpu.memref_slice %arg3[%dma_wait3A_166] : memref<323584xi32, #tpu.memory_space<hbm>> -> memref<128xi32, #tpu.memory_space<hbm>>
        tpu.wait_dma2 semaphore(%arg20 : memref<!tpu.dma_semaphore, #tpu.memory_space<semaphore_mem>>) src(%dma_wait3A_167 : memref<128xi32, #tpu.memory_space<hbm>>) dst(%arg11 : memref<128xi32, #tpu.memory_space<vmem>>)
        %dma_wait3A_168 = arith.constant 0 : i32
        %dma_wait3A_169 = tpu.memref_slice %arg4[%dma_wait3A_168] : memref<323584xi32, #tpu.memory_space<hbm>> -> memref<128xi32, #tpu.memory_space<hbm>>
        %dma_wait3A_170 = arith.constant 0 : i32
        %dma_wait3A_171 = tpu.memref_slice %arg4[%dma_wait3A_170] : memref<323584xi32, #tpu.memory_space<hbm>> -> memref<128xi32, #tpu.memory_space<hbm>>
        tpu.wait_dma2 semaphore(%arg23 : memref<!tpu.dma_semaphore, #tpu.memory_space<semaphore_mem>>) src(%dma_wait3A_171 : memref<128xi32, #tpu.memory_space<hbm>>) dst(%arg14 : memref<128xi32, #tpu.memory_space<vmem>>)
        %dma_start3A_172 = arith.constant 0 : i32
        %dma_start3A_173 = arith.constant 0 : i32
        %dma_start3A_174 = tpu.memref_slice %arg2[%dma_start3A_172, %dma_start3A_173] : memref<10000x128xf32, #tpu.memory_space<hbm>> -> memref<10000x128xf32, #tpu.memory_space<hbm>>
        tpu.enqueue_indirect_dma source(%dma_start3A_174 : memref<10000x128xf32, #tpu.memory_space<hbm>>) target(%arg8 : memref<128x128xf32, #tpu.memory_space<vmem>>) offsets(%arg11 : memref<128xi32, #tpu.memory_space<vmem>>) semaphore(%arg17 : memref<!tpu.dma_semaphore, #tpu.memory_space<semaphore_mem>>)
      } else {
      }
      %mul3A_130 = arith.constant 3 : i32
      %mul3A_131 = arith.muli %mul3A_130, %scan3A_96 : i32
      %add3A_132 = arith.constant 2 : i32
      %add3A_133 = arith.addi %mul3A_131, %add3A_132 : i32
      %dma_wait3A_134 = arith.constant 0 : i32
      %dma_wait3A_135 = arith.constant 0 : i32
      %dma_wait3A_136 = tpu.memref_slice %arg2[%dma_wait3A_134, %dma_wait3A_135] : memref<10000x128xf32, #tpu.memory_space<hbm>> -> memref<10000x128xf32, #tpu.memory_space<hbm>>
      tpu.wait_indirect_dma semaphore(%arg18 : memref<!tpu.dma_semaphore, #tpu.memory_space<semaphore_mem>>) src(%dma_wait3A_136 : memref<10000x128xf32, #tpu.memory_space<hbm>>) dst(%arg9 : memref<128x128xf32, #tpu.memory_space<vmem>>)
      %dma_start3A_137 = arith.constant 0 : i32
      %dma_start3A_138 = arith.constant 0 : i32
      %dma_start3A_139 = tpu.memref_slice %arg6[%dma_start3A_137, %dma_start3A_138] : memref<10008x128xf32, #tpu.memory_space<vmem_shared>> -> memref<10008x128xf32, #tpu.memory_space<vmem_shared>>
      tpu.enqueue_indirect_dma source(%arg9 : memref<128x128xf32, #tpu.memory_space<vmem>>) target(%dma_start3A_139 : memref<10008x128xf32, #tpu.memory_space<vmem_shared>>) offsets(%arg15 : memref<128xi32, #tpu.memory_space<vmem>>) semaphore(%arg27 : memref<!tpu.dma_semaphore, #tpu.memory_space<semaphore_mem>>) {add = true}
      %add3A_140 = arith.constant 3 : i32
      %add3A_141 = arith.addi %add3A_133, %add3A_140 : i32
      %lt3A_142 = arith.constant 79 : i32
      %lt3A_143 = arith.cmpi slt, %add3A_141, %lt3A_142 : i32
      %convert_element_type3A_144 = arith.extui %lt3A_143 : i1 to i32
      %cond3A_145 = arith.constant 0 : i32
      %cond3A_146 = arith.cmpi ne, %convert_element_type3A_144, %cond3A_145 : i32
      scf.if %cond3A_146 {
        %add3A_147 = arith.constant 3 : i32
        %add3A_148 = arith.addi %add3A_133, %add3A_147 : i32
        %mul3A_149 = arith.constant 128 : i32
        %mul3A_150 = arith.muli %add3A_148, %mul3A_149 : i32
        %multiple_of3A_151 = tpu.assume_multiple %mul3A_150, 8 : i32
        %add3A_152 = arith.addi %mul3A_2, %multiple_of3A_151 : i32
        %dma_start3A_153 = tpu.memref_slice %arg3[%add3A_152] : memref<323584xi32, #tpu.memory_space<hbm>> -> memref<128xi32, #tpu.memory_space<hbm>>
        %dma_start3A_154 = tpu.memref_slice %arg3[%add3A_152] : memref<323584xi32, #tpu.memory_space<hbm>> -> memref<128xi32, #tpu.memory_space<hbm>>
        tpu.enqueue_dma source(%dma_start3A_154 : memref<128xi32, #tpu.memory_space<hbm>>) target(%arg12 : memref<128xi32, #tpu.memory_space<vmem>>) target_semaphore(%arg21 : memref<!tpu.dma_semaphore, #tpu.memory_space<semaphore_mem>>)
        %mul3A_155 = arith.constant 128 : i32
        %mul3A_156 = arith.muli %add3A_148, %mul3A_155 : i32
        %multiple_of3A_157 = tpu.assume_multiple %mul3A_156, 8 : i32
        %add3A_158 = arith.addi %mul3A_2, %multiple_of3A_157 : i32
        %dma_start3A_159 = tpu.memref_slice %arg4[%add3A_158] : memref<323584xi32, #tpu.memory_space<hbm>> -> memref<128xi32, #tpu.memory_space<hbm>>
        %dma_start3A_160 = tpu.memref_slice %arg4[%add3A_158] : memref<323584xi32, #tpu.memory_space<hbm>> -> memref<128xi32, #tpu.memory_space<hbm>>
        tpu.enqueue_dma source(%dma_start3A_160 : memref<128xi32, #tpu.memory_space<hbm>>) target(%arg15 : memref<128xi32, #tpu.memory_space<vmem>>) target_semaphore(%arg24 : memref<!tpu.dma_semaphore, #tpu.memory_space<semaphore_mem>>)
        %dma_wait3A_161 = arith.constant 0 : i32
        %dma_wait3A_162 = arith.constant 0 : i32
        %dma_wait3A_163 = tpu.memref_slice %arg6[%dma_wait3A_161, %dma_wait3A_162] : memref<10008x128xf32, #tpu.memory_space<vmem_shared>> -> memref<10008x128xf32, #tpu.memory_space<vmem_shared>>
        tpu.wait_indirect_dma semaphore(%arg27 : memref<!tpu.dma_semaphore, #tpu.memory_space<semaphore_mem>>) src(%arg9 : memref<128x128xf32, #tpu.memory_space<vmem>>) dst(%dma_wait3A_163 : memref<10008x128xf32, #tpu.memory_space<vmem_shared>>)
        %dma_wait3A_164 = arith.constant 0 : i32
        %dma_wait3A_165 = tpu.memref_slice %arg3[%dma_wait3A_164] : memref<323584xi32, #tpu.memory_space<hbm>> -> memref<128xi32, #tpu.memory_space<hbm>>
        %dma_wait3A_166 = arith.constant 0 : i32
        %dma_wait3A_167 = tpu.memref_slice %arg3[%dma_wait3A_166] : memref<323584xi32, #tpu.memory_space<hbm>> -> memref<128xi32, #tpu.memory_space<hbm>>
        tpu.wait_dma2 semaphore(%arg21 : memref<!tpu.dma_semaphore, #tpu.memory_space<semaphore_mem>>) src(%dma_wait3A_167 : memref<128xi32, #tpu.memory_space<hbm>>) dst(%arg12 : memref<128xi32, #tpu.memory_space<vmem>>)
        %dma_wait3A_168 = arith.constant 0 : i32
        %dma_wait3A_169 = tpu.memref_slice %arg4[%dma_wait3A_168] : memref<323584xi32, #tpu.memory_space<hbm>> -> memref<128xi32, #tpu.memory_space<hbm>>
        %dma_wait3A_170 = arith.constant 0 : i32
        %dma_wait3A_171 = tpu.memref_slice %arg4[%dma_wait3A_170] : memref<323584xi32, #tpu.memory_space<hbm>> -> memref<128xi32, #tpu.memory_space<hbm>>
        tpu.wait_dma2 semaphore(%arg24 : memref<!tpu.dma_semaphore, #tpu.memory_space<semaphore_mem>>) src(%dma_wait3A_171 : memref<128xi32, #tpu.memory_space<hbm>>) dst(%arg15 : memref<128xi32, #tpu.memory_space<vmem>>)
        %dma_start3A_172 = arith.constant 0 : i32
        %dma_start3A_173 = arith.constant 0 : i32
        %dma_start3A_174 = tpu.memref_slice %arg2[%dma_start3A_172, %dma_start3A_173] : memref<10000x128xf32, #tpu.memory_space<hbm>> -> memref<10000x128xf32, #tpu.memory_space<hbm>>
        tpu.enqueue_indirect_dma source(%dma_start3A_174 : memref<10000x128xf32, #tpu.memory_space<hbm>>) target(%arg9 : memref<128x128xf32, #tpu.memory_space<vmem>>) offsets(%arg12 : memref<128xi32, #tpu.memory_space<vmem>>) semaphore(%arg18 : memref<!tpu.dma_semaphore, #tpu.memory_space<semaphore_mem>>)
      } else {
      }
    }
    %scan3A_71 = arith.constant 26 : i32
    %dma_wait3A_72 = arith.constant 0 : i32
    %dma_wait3A_73 = arith.constant 0 : i32
    %dma_wait3A_74 = tpu.memref_slice %arg2[%dma_wait3A_72, %dma_wait3A_73] : memref<10000x128xf32, #tpu.memory_space<hbm>> -> memref<10000x128xf32, #tpu.memory_space<hbm>>
    tpu.wait_indirect_dma semaphore(%arg16 : memref<!tpu.dma_semaphore, #tpu.memory_space<semaphore_mem>>) src(%dma_wait3A_74 : memref<10000x128xf32, #tpu.memory_space<hbm>>) dst(%arg7 : memref<128x128xf32, #tpu.memory_space<vmem>>)
    %dma_start3A_75 = arith.constant 0 : i32
    %dma_start3A_76 = arith.constant 0 : i32
    %dma_start3A_77 = tpu.memref_slice %arg6[%dma_start3A_75, %dma_start3A_76] : memref<10008x128xf32, #tpu.memory_space<vmem_shared>> -> memref<10008x128xf32, #tpu.memory_space<vmem_shared>>
    tpu.enqueue_indirect_dma source(%arg7 : memref<128x128xf32, #tpu.memory_space<vmem>>) target(%dma_start3A_77 : memref<10008x128xf32, #tpu.memory_space<vmem_shared>>) offsets(%arg13 : memref<128xi32, #tpu.memory_space<vmem>>) semaphore(%arg25 : memref<!tpu.dma_semaphore, #tpu.memory_space<semaphore_mem>>) {add = true}
    %dma_wait3A_78 = arith.constant 0 : i32
    %dma_wait3A_79 = arith.constant 0 : i32
    %dma_wait3A_80 = tpu.memref_slice %arg6[%dma_wait3A_78, %dma_wait3A_79] : memref<10008x128xf32, #tpu.memory_space<vmem_shared>> -> memref<10008x128xf32, #tpu.memory_space<vmem_shared>>
    tpu.wait_indirect_dma semaphore(%arg25 : memref<!tpu.dma_semaphore, #tpu.memory_space<semaphore_mem>>) src(%arg7 : memref<128x128xf32, #tpu.memory_space<vmem>>) dst(%dma_wait3A_80 : memref<10008x128xf32, #tpu.memory_space<vmem_shared>>)
    %dma_wait3A_81 = arith.constant 0 : i32
    %dma_wait3A_82 = arith.constant 0 : i32
    %dma_wait3A_83 = tpu.memref_slice %arg6[%dma_wait3A_81, %dma_wait3A_82] : memref<10008x128xf32, #tpu.memory_space<vmem_shared>> -> memref<10008x128xf32, #tpu.memory_space<vmem_shared>>
    tpu.wait_indirect_dma semaphore(%arg26 : memref<!tpu.dma_semaphore, #tpu.memory_space<semaphore_mem>>) src(%arg8 : memref<128x128xf32, #tpu.memory_space<vmem>>) dst(%dma_wait3A_83 : memref<10008x128xf32, #tpu.memory_space<vmem_shared>>)
    %dma_wait3A_84 = arith.constant 0 : i32
    %dma_wait3A_85 = arith.constant 0 : i32
    %dma_wait3A_86 = tpu.memref_slice %arg6[%dma_wait3A_84, %dma_wait3A_85] : memref<10008x128xf32, #tpu.memory_space<vmem_shared>> -> memref<10008x128xf32, #tpu.memory_space<vmem_shared>>
    tpu.wait_indirect_dma semaphore(%arg27 : memref<!tpu.dma_semaphore, #tpu.memory_space<semaphore_mem>>) src(%arg9 : memref<128x128xf32, #tpu.memory_space<vmem>>) dst(%dma_wait3A_86 : memref<10008x128xf32, #tpu.memory_space<vmem_shared>>)
    %barrier3A_87 = arith.constant 0 : index
    tpu.barrier barrier_id(%barrier3A_87)
    %mul3A_88 = arith.constant 10000 : i32
    %mul3A_89 = arith.muli %arg0, %mul3A_88 : i32
    %add3A_90 = arith.addi %mul3A_89, %mul3A_4 : i32
    "tpu.region"() ({
      %run_scoped3A = tpu.sem_alloc : memref<!tpu.dma_semaphore, #tpu.memory_space<semaphore_mem>>
      %dma_start3A_96 = arith.constant 0 : i32
      %dma_start3A_97 = tpu.memref_slice %arg5[%add3A_90, %dma_start3A_96] : memref<20000x128xf32, #tpu.memory_space<hbm>> -> memref<624x128xf32, #tpu.memory_space<hbm>>
      %dma_start3A_98 = arith.constant 0 : i32
      %dma_start3A_99 = tpu.memref_slice %arg6[%mul3A_4, %dma_start3A_98] : memref<10008x128xf32, #tpu.memory_space<vmem_shared>> -> memref<624x128xf32, #tpu.memory_space<vmem_shared>>
      tpu.enqueue_dma source(%dma_start3A_99 : memref<624x128xf32, #tpu.memory_space<vmem_shared>>) target(%dma_start3A_97 : memref<624x128xf32, #tpu.memory_space<hbm>>) target_semaphore(%run_scoped3A : memref<!tpu.dma_semaphore, #tpu.memory_space<semaphore_mem>>)
      %dma_wait3A_100 = arith.constant 0 : i32
      %dma_wait3A_101 = tpu.memref_slice %arg5[%add3A_90, %dma_wait3A_100] : memref<20000x128xf32, #tpu.memory_space<hbm>> -> memref<624x128xf32, #tpu.memory_space<hbm>>
      %dma_wait3A_102 = arith.constant 0 : i32
      %dma_wait3A_103 = tpu.memref_slice %arg6[%mul3A_4, %dma_wait3A_102] : memref<10008x128xf32, #tpu.memory_space<vmem_shared>> -> memref<624x128xf32, #tpu.memory_space<vmem_shared>>
      tpu.wait_dma2 semaphore(%run_scoped3A : memref<!tpu.dma_semaphore, #tpu.memory_space<semaphore_mem>>) src(%dma_wait3A_103 : memref<624x128xf32, #tpu.memory_space<vmem_shared>>) dst(%dma_wait3A_101 : memref<624x128xf32, #tpu.memory_space<hbm>>)
      tpu.yield
    }) : () -> ()
    %eq3A_91 = arith.constant 15 : i32
    %eq3A_92 = arith.cmpi eq, %arg1, %eq3A_91 : i32
    %convert_element_type3A_93 = arith.extui %eq3A_92 : i1 to i32
    %cond3A_94 = arith.constant 0 : i32
    %cond3A_95 = arith.cmpi ne, %convert_element_type3A_93, %cond3A_94 : i32
    scf.if %cond3A_95 {
      %mul3A_96 = arith.constant 10000 : i32
      %mul3A_97 = arith.muli %arg0, %mul3A_96 : i32
      %add3A_98 = arith.constant 9984 : i32
      %add3A_99 = arith.addi %mul3A_97, %add3A_98 : i32
      "tpu.region"() ({
        %run_scoped3A = tpu.sem_alloc : memref<!tpu.dma_semaphore, #tpu.memory_space<semaphore_mem>>
        %dma_start3A_100 = arith.constant 0 : i32
        %dma_start3A_101 = tpu.memref_slice %arg5[%add3A_99, %dma_start3A_100] : memref<20000x128xf32, #tpu.memory_space<hbm>> -> memref<16x128xf32, #tpu.memory_space<hbm>>
        %dma_start3A_102 = arith.constant 9984 : i32
        %dma_start3A_103 = arith.constant 0 : i32
        %dma_start3A_104 = tpu.memref_slice %arg6[%dma_start3A_102, %dma_start3A_103] : memref<10008x128xf32, #tpu.memory_space<vmem_shared>> -> memref<16x128xf32, #tpu.memory_space<vmem_shared>>
        tpu.enqueue_dma source(%dma_start3A_104 : memref<16x128xf32, #tpu.memory_space<vmem_shared>>) target(%dma_start3A_101 : memref<16x128xf32, #tpu.memory_space<hbm>>) target_semaphore(%run_scoped3A : memref<!tpu.dma_semaphore, #tpu.memory_space<semaphore_mem>>)
        %dma_wait3A_105 = arith.constant 0 : i32
        %dma_wait3A_106 = tpu.memref_slice %arg5[%add3A_99, %dma_wait3A_105] : memref<20000x128xf32, #tpu.memory_space<hbm>> -> memref<16x128xf32, #tpu.memory_space<hbm>>
        %dma_wait3A_107 = arith.constant 9984 : i32
        %dma_wait3A_108 = arith.constant 0 : i32
        %dma_wait3A_109 = tpu.memref_slice %arg6[%dma_wait3A_107, %dma_wait3A_108] : memref<10008x128xf32, #tpu.memory_space<vmem_shared>> -> memref<16x128xf32, #tpu.memory_space<vmem_shared>>
        tpu.wait_dma2 semaphore(%run_scoped3A : memref<!tpu.dma_semaphore, #tpu.memory_space<semaphore_mem>>) src(%dma_wait3A_109 : memref<16x128xf32, #tpu.memory_space<vmem_shared>>) dst(%dma_wait3A_106 : memref<16x128xf32, #tpu.memory_space<hbm>>)
        tpu.yield
      }) : () -> ()
    } else {
    }
    return
  }
}

module attributes {stable_mosaic.version = 14 : i64} {
  func.func @body(%arg0: memref<20000x128xf32, #tpu.memory_space<vmem>>, %arg1: memref<10000x128xf32, #tpu.memory_space<vmem>>, %arg2: memref<128x128xf32, #tpu.memory_space<vmem>>, %arg3: memref<1x128xf32, #tpu.memory_space<vmem>>, %arg4: memref<1x128xf32, #tpu.memory_space<vmem>>, %arg5: memref<1x128xf32, #tpu.memory_space<vmem>>, %arg6: memref<10000x128xf32, #tpu.memory_space<vmem>>) attributes {dimension_semantics = [], scalar_prefetch = 0 : i64, scratch_operands = 0 : i64, tpu.core_type = #tpu.core_type<tc>} {
    %get3A = arith.constant 0 : index
    %get3A_0 = arith.constant 0 : index
    %get3A_1 = vector.load %arg0[%get3A, %get3A_0] : memref<20000x128xf32, #tpu.memory_space<vmem>>, vector<10000x128xf32>
    %get3A_2 = arith.constant 10000 : index
    %get3A_3 = arith.constant 0 : index
    %get3A_4 = vector.load %arg0[%get3A_2, %get3A_3] : memref<20000x128xf32, #tpu.memory_space<vmem>>, vector<10000x128xf32>
    %add3A = arith.addf %get3A_1, %get3A_4 : vector<10000x128xf32>
    %get3A_5 = arith.constant 0 : index
    %get3A_6 = arith.constant 0 : index
    %get3A_7 = vector.load %arg1[%get3A_5, %get3A_6] : memref<10000x128xf32, #tpu.memory_space<vmem>>, vector<10000x128xf32>
    %mul3A = arith.constant 1.000000e+00 : f32
    %mul3A_8 = vector.broadcast %mul3A : f32 to vector<10000x128xf32>
    %mul3A_9 = arith.mulf %mul3A_8, %get3A_7 : vector<10000x128xf32>
    %sub3A = arith.subf %add3A, %mul3A_9 : vector<10000x128xf32>
    %get3A_10 = arith.constant 0 : index
    %get3A_11 = arith.constant 0 : index
    %get3A_12 = vector.load %arg2[%get3A_10, %get3A_11] : memref<128x128xf32, #tpu.memory_space<vmem>>, vector<128x128xf32>
    %dot_general3A = arith.constant dense<0.000000e+00> : vector<10000x128xf32>
    %dot_general3A_13 = tpu.matmul %sub3A, %get3A_12, %dot_general3A {dimension_numbers = #tpu.dot_dimension_numbers<[1], [0], [0], [1], [0, 0, 1, 1], [], []>, transpose_lhs_hint = false} : vector<10000x128xf32>, vector<128x128xf32>, vector<10000x128xf32> -> vector<10000x128xf32>
    %get3A_14 = arith.constant 0 : index
    %get3A_15 = arith.constant 0 : index
    %get3A_16 = vector.load %arg3[%get3A_14, %get3A_15] : memref<1x128xf32, #tpu.memory_space<vmem>>, vector<1x128xf32>
    %add3A_17 = vector.broadcast %get3A_16 : vector<1x128xf32> to vector<10000x128xf32>
    %add3A_18 = arith.addf %dot_general3A_13, %add3A_17 : vector<10000x128xf32>
    %reduce_sum3A = arith.constant dense<0.000000e+00> : vector<128xf32>
    %reduce_sum3A_19 = vector.multi_reduction <add>, %add3A_18, %reduce_sum3A [0] : vector<10000x128xf32> to vector<128xf32>
    %broadcast_in_dim3A = vector.shape_cast %reduce_sum3A_19 : vector<128xf32> to vector<1x128xf32>
    %div3A = arith.constant 1.000000e+04 : f32
    %div3A_20 = vector.broadcast %div3A : f32 to vector<1x128xf32>
    %div3A_21 = arith.divf %broadcast_in_dim3A, %div3A_20 : vector<1x128xf32>
    %sub3A_22 = vector.broadcast %div3A_21 : vector<1x128xf32> to vector<10000x128xf32>
    %sub3A_23 = arith.subf %add3A_18, %sub3A_22 : vector<10000x128xf32>
    %integer_pow3A = arith.mulf %sub3A_23, %sub3A_23 : vector<10000x128xf32>
    %reduce_sum3A_24 = arith.constant dense<0.000000e+00> : vector<128xf32>
    %reduce_sum3A_25 = vector.multi_reduction <add>, %integer_pow3A, %reduce_sum3A_24 [0] : vector<10000x128xf32> to vector<128xf32>
    %broadcast_in_dim3A_26 = vector.shape_cast %reduce_sum3A_25 : vector<128xf32> to vector<1x128xf32>
    %div3A_27 = arith.constant 1.000000e+04 : f32
    %div3A_28 = vector.broadcast %div3A_27 : f32 to vector<1x128xf32>
    %div3A_29 = arith.divf %broadcast_in_dim3A_26, %div3A_28 : vector<1x128xf32>
    %sub3A_30 = vector.broadcast %div3A_21 : vector<1x128xf32> to vector<10000x128xf32>
    %sub3A_31 = arith.subf %add3A_18, %sub3A_30 : vector<10000x128xf32>
    %add3A_32 = arith.constant 9.99999974E-6 : f32
    %add3A_33 = vector.broadcast %add3A_32 : f32 to vector<1x128xf32>
    %add3A_34 = arith.addf %div3A_29, %add3A_33 : vector<1x128xf32>
    %rsqrt3A = math.rsqrt %add3A_34 : vector<1x128xf32>
    %mul3A_35 = vector.broadcast %rsqrt3A : vector<1x128xf32> to vector<10000x128xf32>
    %mul3A_36 = arith.mulf %sub3A_31, %mul3A_35 : vector<10000x128xf32>
    %get3A_37 = arith.constant 0 : index
    %get3A_38 = arith.constant 0 : index
    %get3A_39 = vector.load %arg4[%get3A_37, %get3A_38] : memref<1x128xf32, #tpu.memory_space<vmem>>, vector<1x128xf32>
    %mul3A_40 = vector.broadcast %get3A_39 : vector<1x128xf32> to vector<10000x128xf32>
    %mul3A_41 = arith.mulf %mul3A_36, %mul3A_40 : vector<10000x128xf32>
    %get3A_42 = arith.constant 0 : index
    %get3A_43 = arith.constant 0 : index
    %get3A_44 = vector.load %arg5[%get3A_42, %get3A_43] : memref<1x128xf32, #tpu.memory_space<vmem>>, vector<1x128xf32>
    %add3A_45 = vector.broadcast %get3A_44 : vector<1x128xf32> to vector<10000x128xf32>
    %add3A_46 = arith.addf %mul3A_41, %add3A_45 : vector<10000x128xf32>
    %max3A = arith.constant 0.000000e+00 : f32
    %max3A_47 = vector.broadcast %max3A : f32 to vector<10000x128xf32>
    %max3A_48 = arith.maximumf %add3A_46, %max3A_47 : vector<10000x128xf32>
    %swap3A = arith.constant 0 : index
    %swap3A_49 = arith.constant 0 : index
    %swap3A_50 = vector.load %arg6[%swap3A, %swap3A_49] : memref<10000x128xf32, #tpu.memory_space<vmem>>, vector<10000x128xf32>
    tpu.vector_store %arg6[%swap3A, %swap3A_49], %max3A_48 {strides = array<i32>} : memref<10000x128xf32, #tpu.memory_space<vmem>>, vector<10000x128xf32>,
    return
  }
}

module attributes {stable_mosaic.version = 14 : i64} {
  func.func @body(%arg0: memref<20000x128xf32, #tpu.memory_space<vmem>>, %arg1: memref<10000x128xf32, #tpu.memory_space<vmem>>, %arg2: memref<128x128xf32, #tpu.memory_space<vmem>>, %arg3: memref<1x128xf32, #tpu.memory_space<vmem>>, %arg4: memref<1x128xf32, #tpu.memory_space<vmem>>, %arg5: memref<1x128xf32, #tpu.memory_space<vmem>>, %arg6: memref<10000x128xf32, #tpu.memory_space<vmem>>) attributes {dimension_semantics = [], scalar_prefetch = 0 : i64, scratch_operands = 0 : i64, tpu.core_type = #tpu.core_type<tc>} {
    %get3A = arith.constant 0 : index
    %get3A_0 = arith.constant 0 : index
    %get3A_1 = vector.load %arg0[%get3A, %get3A_0] : memref<20000x128xf32, #tpu.memory_space<vmem>>, vector<10000x128xf32>
    %get3A_2 = arith.constant 10000 : index
    %get3A_3 = arith.constant 0 : index
    %get3A_4 = vector.load %arg0[%get3A_2, %get3A_3] : memref<20000x128xf32, #tpu.memory_space<vmem>>, vector<10000x128xf32>
    %add3A = arith.addf %get3A_1, %get3A_4 : vector<10000x128xf32>
    %get3A_5 = arith.constant 0 : index
    %get3A_6 = arith.constant 0 : index
    %get3A_7 = vector.load %arg1[%get3A_5, %get3A_6] : memref<10000x128xf32, #tpu.memory_space<vmem>>, vector<10000x128xf32>
    %mul3A = arith.constant 1.000000e+00 : f32
    %mul3A_8 = vector.broadcast %mul3A : f32 to vector<10000x128xf32>
    %mul3A_9 = arith.mulf %mul3A_8, %get3A_7 : vector<10000x128xf32>
    %sub3A = arith.subf %add3A, %mul3A_9 : vector<10000x128xf32>
    %get3A_10 = arith.constant 0 : index
    %get3A_11 = arith.constant 0 : index
    %get3A_12 = vector.load %arg2[%get3A_10, %get3A_11] : memref<128x128xf32, #tpu.memory_space<vmem>>, vector<128x128xf32>
    %dot_general3A = arith.constant dense<0.000000e+00> : vector<10000x128xf32>
    %dot_general3A_13 = tpu.matmul %sub3A, %get3A_12, %dot_general3A {dimension_numbers = #tpu.dot_dimension_numbers<[1], [0], [0], [1], [0, 0, 1, 1], [], []>, transpose_lhs_hint = false} : vector<10000x128xf32>, vector<128x128xf32>, vector<10000x128xf32> -> vector<10000x128xf32>
    %get3A_14 = arith.constant 0 : index
    %get3A_15 = arith.constant 0 : index
    %get3A_16 = vector.load %arg3[%get3A_14, %get3A_15] : memref<1x128xf32, #tpu.memory_space<vmem>>, vector<1x128xf32>
    %add3A_17 = vector.broadcast %get3A_16 : vector<1x128xf32> to vector<10000x128xf32>
    %add3A_18 = arith.addf %dot_general3A_13, %add3A_17 : vector<10000x128xf32>
    %reduce_sum3A = arith.constant dense<0.000000e+00> : vector<128xf32>
    %reduce_sum3A_19 = vector.multi_reduction <add>, %add3A_18, %reduce_sum3A [0] : vector<10000x128xf32> to vector<128xf32>
    %broadcast_in_dim3A = vector.shape_cast %reduce_sum3A_19 : vector<128xf32> to vector<1x128xf32>
    %div3A = arith.constant 1.000000e+04 : f32
    %div3A_20 = vector.broadcast %div3A : f32 to vector<1x128xf32>
    %div3A_21 = arith.divf %broadcast_in_dim3A, %div3A_20 : vector<1x128xf32>
    %sub3A_22 = vector.broadcast %div3A_21 : vector<1x128xf32> to vector<10000x128xf32>
    %sub3A_23 = arith.subf %add3A_18, %sub3A_22 : vector<10000x128xf32>
    %integer_pow3A = arith.mulf %sub3A_23, %sub3A_23 : vector<10000x128xf32>
    %reduce_sum3A_24 = arith.constant dense<0.000000e+00> : vector<128xf32>
    %reduce_sum3A_25 = vector.multi_reduction <add>, %integer_pow3A, %reduce_sum3A_24 [0] : vector<10000x128xf32> to vector<128xf32>
    %broadcast_in_dim3A_26 = vector.shape_cast %reduce_sum3A_25 : vector<128xf32> to vector<1x128xf32>
    %div3A_27 = arith.constant 1.000000e+04 : f32
    %div3A_28 = vector.broadcast %div3A_27 : f32 to vector<1x128xf32>
    %div3A_29 = arith.divf %broadcast_in_dim3A_26, %div3A_28 : vector<1x128xf32>
    %sub3A_30 = vector.broadcast %div3A_21 : vector<1x128xf32> to vector<10000x128xf32>
    %sub3A_31 = arith.subf %add3A_18, %sub3A_30 : vector<10000x128xf32>
    %add3A_32 = arith.constant 9.99999974E-6 : f32
    %add3A_33 = vector.broadcast %add3A_32 : f32 to vector<1x128xf32>
    %add3A_34 = arith.addf %div3A_29, %add3A_33 : vector<1x128xf32>
    %rsqrt3A = math.rsqrt %add3A_34 : vector<1x128xf32>
    %mul3A_35 = vector.broadcast %rsqrt3A : vector<1x128xf32> to vector<10000x128xf32>
    %mul3A_36 = arith.mulf %sub3A_31, %mul3A_35 : vector<10000x128xf32>
    %get3A_37 = arith.constant 0 : index
    %get3A_38 = arith.constant 0 : index
    %get3A_39 = vector.load %arg4[%get3A_37, %get3A_38] : memref<1x128xf32, #tpu.memory_space<vmem>>, vector<1x128xf32>
    %mul3A_40 = vector.broadcast %get3A_39 : vector<1x128xf32> to vector<10000x128xf32>
    %mul3A_41 = arith.mulf %mul3A_36, %mul3A_40 : vector<10000x128xf32>
    %get3A_42 = arith.constant 0 : index
    %get3A_43 = arith.constant 0 : index
    %get3A_44 = vector.load %arg5[%get3A_42, %get3A_43] : memref<1x128xf32, #tpu.memory_space<vmem>>, vector<1x128xf32>
    %add3A_45 = vector.broadcast %get3A_44 : vector<1x128xf32> to vector<10000x128xf32>
    %add3A_46 = arith.addf %mul3A_41, %add3A_45 : vector<10000x128xf32>
    %max3A = arith.constant 0.000000e+00 : f32
    %max3A_47 = vector.broadcast %max3A : f32 to vector<10000x128xf32>
    %max3A_48 = arith.maximumf %add3A_46, %max3A_47 : vector<10000x128xf32>
    %swap3A = arith.constant 0 : index
    %swap3A_49 = arith.constant 0 : index
    %swap3A_50 = vector.load %arg6[%swap3A, %swap3A_49] : memref<10000x128xf32, #tpu.memory_space<vmem>>, vector<10000x128xf32>
    tpu.vector_store %arg6[%swap3A, %swap3A_49], %max3A_48 {strides = array<i32>} : memref<10000x128xf32, #tpu.memory_space<vmem>>, vector<10000x128xf32>,
    return
  }
}

</mosaic_0001>

<sc_bundles>
// kernel: kernel.6.cloned.1.call-start
scs
__scs_entry_jumppad:
0x0: {  	(pc) =	sbr.rel $0x88, $3  }
0x1: {  	(tag) =	ssettag $0x0;
	lr =	simm.s32 $0x1  }
0x2: {  	[smem:$0x3F97] =	sst lr;
	_ =	strace $0xD0000000  }
0x3: {  	_ = 	snop  }
0x4: {  	_ = 	snop  }
0x5: {  	_ = 	snop  }
0x6: {  	_ = 	snop  }
0x7: {  	_ = 	snop  }
__scs_overlays_trampoline_lowered:
0x8: {  	[smem:$0x3FA6] =	sst s0  }
0x9: {  	[smem:$0x3FA7] =	sst s1  }
0xa: {  	[smem:$0x3FA8] =	sst s2  }
0xb: {  	[smem:$0x3FA9] =	sst s3  }
0xc: {  	[smem:$0x3FAA] =	sst s4  }
0xd: {  	[smem:$0x3FAB] =	sst s5  }
0xe: {  	[smem:$0x3FAC] =	sst s6  }
0xf: {  	[smem:$0x3FAD] =	sst s7  }
0x10: {  	[smem:$0x3FAE] =	sst s8  }
0x11: {  	[smem:$0x3FAF] =	sst s9;
	s0 =	simm.s32 @!p0 $0x0  }
0x12: {  	s1 =	sld [smem:$0x3F95];
	s0 =	simm.s32 @p0 $0x1  }
0x13: {  	[smem:$0x3FB0] =	sst s0;
	s0 =	simm.s32 @!p1 $0x0  }
0x14: {  	s2 =	sld [smem:$0x3F94];
	s0 =	simm.s32 @p1 $0x1  }
0x15: {  	[smem:$0x3FB1] =	sst s0;
	s0 =	simm.s32 @!p2 $0x0  }
0x16: {  	s3 =	sld [smem:$0x3FDB];
	s0 =	simm.s32 @p2 $0x1  }
0x17: {  	s4 =	simm.s32 $0x1BF5;
	[smem:$0x3FB3] =	sst s0  }
0x18: {  	s0 =	sld [smem:$0x3F96];
	_ =	swait.ge [sflag:s4], $0x0  }
0x19: {  	s7 =	sld [smem:$0x3F97]  }
0x1a: {  	s8 =	sadd.s32 $0xFFFFE003, lr  }
0x1b: {  	s9 =	sadd.s32 $0xFFFFFEF7, lr;
	s5 =	simm.s32 $0xFFFFFFFF;
	p2 =	slt.u32 s8, $0xFFFFF086  }
0x1c: {  	p1 =	slt.u32 s9, $0xF7A;
	s5 =	simm.s32 @!p2 $0x0  }
0x1d: {  	s5 =	simm.s32 @p1 $0x1;
	p0 =	seq.s32 s7, s2  }
0x1e: {  	s7 =	smul.u32 @!p0 $0xF7A, s2;
	p2 =	seq.s32 @!p0 s5, $0x0  }
0x1f: {  	s9 =	smul.u32 $0xF7A, s1;
	s8 =	simm.s32 @!p0 $0x1BF5;
	p2 =	por !p2, p0  }
0x20: {  	[sflag:s8] =	ssyncset.s32 @!p0 $0xFFFFF086;
	s6 =	sadd.s32 @!p0 s3, s7;
	s7 =	simm.s32 @!p0 $0x108  }
0x21: {  	s3 =	sadd.s32 s3, s9;
	s6 =	sadd.s32 @!p0 $0x88, s6;
	s7 =	simm.s32 @p2 $0x1082  }
0x22: {  	[simem:s7], [sflag:s8] =	dma.local @!p0 [hbm:s6], $0xF7A  }
0x23: {  	s9 =	sor.u32 $0xD0000000, s2;
	s6 =	simm.s32 $0x108;
	_ =	swait.ge @!p0 [sflag:s8], $0x0  }
0x24: {  	s3 =	sadd.s32 $0x88, s3;
	s6 =	simm.s32 @!p1 $0x1082;
	[sflag:s4] =	ssyncset.s32 $0xFFFFF086  }
0x25: {  	[simem:s6], [sflag:s4] =	dma.local [hbm:s3], $0xF7A  }
0x26: {  	[smem:$0x3F97] =	sst s1;
	(tag) =	ssettag s2;
	_ =	strace s9  }
0x27: {  	s1 =	sld [smem:$0x3FA7]  }
0x28: {  	s2 =	sld [smem:$0x3FA8]  }
0x29: {  	s4 =	sld [smem:$0x3FAA]  }
0x2a: {  	p0 =	seq.s32 s5, $0x0;
	s5 =	sld [smem:$0x3FAB]  }
0x2b: {  	s6 =	sld [smem:$0x3FAC]  }
0x2c: {  	s7 =	sld [smem:$0x3FAD]  }
0x2d: {  	s3 =	simm.s32 $0x108;
	s8 =	sld [smem:$0x3FAE]  }
0x2e: {  	s3 =	simm.s32 @!p0 $0x1082;
	s9 =	sld [smem:$0x3FAF]  }
0x2f: {  	lr =	sadd.s32 s0, s3;
	s0 =	sld [smem:$0x3FA6]  }
0x30: {  	s3 =	sld [smem:$0x3FA9]  }
0x31: {  	[smem:$0x3FB2] =	sst s10  }
0x32: {  	s10 =	sld [smem:$0x3FB0];
	_ =	sdelay $0x3  }
0x33: {  	p0 =	seq.s32 s10, $0x1;
	s10 =	sld [smem:$0x3FB2];
	_ =	sdelay $0x3  }
0x34: {  	[smem:$0x3FB2] =	sst s10  }
0x35: {  	s10 =	sld [smem:$0x3FB1];
	_ =	sdelay $0x3  }
0x36: {  	p1 =	seq.s32 s10, $0x1;
	s10 =	sld [smem:$0x3FB2];
	_ =	sdelay $0x3  }
0x37: {  	[smem:$0x3FB2] =	sst s10  }
0x38: {  	s10 =	sld [smem:$0x3FB3]  }
0x39: {  	_ = 	snop;
	(pc) =	sbr.ind lr, $3  }
0x3a: {  	_ = 	snop  }
0x3b: {  	_ = 	snop  }
0x3c: {  	p2 =	seq.s32 s10, $0x1;
	s10 =	sld [smem:$0x3FB2]  }
0x3d: {  	_ =	shalt  }
0x3e: {  	_ =	shalt  }
0x3f: {  	_ =	shalt  }
0x40: {  	_ =	shalt  }
0x41: {  	_ =	shalt  }
0x42: {  	_ =	shalt  }
0x43: {  	_ =	shalt  }
0x44: {  	_ =	shalt  }
0x45: {  	_ =	shalt  }
0x46: {  	_ =	shalt  }
0x47: {  	_ =	shalt  }
0x48: {  	_ =	shalt  }
0x49: {  	_ =	shalt  }
0x4a: {  	_ =	shalt  }
0x4b: {  	_ =	shalt  }
0x4c: {  	_ =	shalt  }
0x4d: {  	_ =	shalt  }
0x4e: {  	_ =	shalt  }
0x4f: {  	_ =	shalt  }
0x50: {  	_ =	shalt  }
0x51: {  	_ =	shalt  }
0x52: {  	_ =	shalt  }
0x53: {  	_ =	shalt  }
0x54: {  	_ =	shalt  }
0x55: {  	_ =	shalt  }
0x56: {  	_ =	shalt  }
0x57: {  	_ =	shalt  }
0x58: {  	_ =	shalt  }
0x59: {  	_ =	shalt  }
0x5a: {  	_ =	shalt  }
0x5b: {  	_ =	shalt  }
0x5c: {  	_ =	shalt  }
0x5d: {  	_ =	shalt  }
0x5e: {  	_ =	shalt  }
0x5f: {  	_ =	shalt  }
0x60: {  	_ =	shalt  }
0x61: {  	_ =	shalt  }
0x62: {  	_ =	shalt  }
0x63: {  	_ =	shalt  }
0x64: {  	_ =	shalt  }
0x65: {  	_ =	shalt  }
0x66: {  	_ =	shalt  }
0x67: {  	_ =	shalt  }
0x68: {  	_ =	shalt  }
0x69: {  	_ =	shalt  }
0x6a: {  	_ =	shalt  }
0x6b: {  	_ =	shalt  }
0x6c: {  	_ =	shalt  }
0x6d: {  	_ =	shalt  }
0x6e: {  	_ =	shalt  }
0x6f: {  	_ =	shalt  }
0x70: {  	_ =	shalt  }
0x71: {  	_ =	shalt  }
0x72: {  	_ =	shalt  }
0x73: {  	_ =	shalt  }
0x74: {  	_ =	shalt  }
0x75: {  	_ =	shalt  }
0x76: {  	_ =	shalt  }
0x77: {  	_ =	shalt  }
0x78: {  	_ =	shalt  }
0x79: {  	_ =	shalt  }
0x7a: {  	_ =	shalt  }
0x7b: {  	_ =	shalt  }
0x7c: {  	_ =	shalt  }
0x7d: {  	_ =	shalt  }
0x7e: {  	_ =	shalt  }
0x7f: {  	_ =	shalt  }
0x80: {  	_ =	shalt  }
0x81: {  	_ =	shalt  }
0x82: {  	_ =	shalt  }
0x83: {  	_ =	shalt  }
0x84: {  	_ =	shalt  }
0x85: {  	_ =	shalt  }
0x86: {  	_ =	shalt  }
0x87: {  	_ =	shalt  }
.Lfunc_end0:
.L_simem_size_0:
called_computation_lowered:
.L_overlay_start_0:
0x88: {  	s2 =	sld [smem:$0x3FD9]  }
0x89: {  	s3 =	sld [smem:$0x3FFE];
	_ =	sdelay $0x1  }
0x8a: {  	s1 =	srdreg.scid  }
0x8b: {  	s0 =	sand.u32 $0x1, s1  }
0x8c: {  	s17 =	sshll.u32 s0, $0xA;
	s2 =	sadd.s32 s3, s2  }
0x8d: {  	s2 =	sadd.s32 s2, s17  }
0x8e: {  	[smem:$0x3FBE] =	sst s2  }
0x8f: {  	_ = 	snop  }
0x90: {  	s2 =	sld [smem:$0x3FC9];
	(tm) =	ssettm $0x1  }
0x91: {  	s18 =	sld [smem:$0x3FFB];
	_ =	sdelay $0x3  }
0x92: {  	_ =	strace s18  }
0x93: {  	s3 =	sld [smem:$0x3FFC];
	_ =	sdelay $0x3  }
0x94: {  	_ =	strace s3  }
0x95: {  	s3 =	sld [smem:$0x3FFD];
	_ =	sdelay $0x3  }
0x96: {  	_ =	strace s3  }
0x97: {  	_ =	strace $0x8FFFFFFF  }
0x98: {  	s19 =	sld [smem:$0x3FDB];
	_ =	sdelay $0x1  }
0x99: {  	s4 =	simm.s32 $_scs_section_size  }
0x9a: {  	s5 =	simm.s32 $_size__tile_overlayer_lowered;
	s6 =	simm.s32 $_tile_overlayer_lowered  }
0x9b: {  	s22 =	simm.s32 $0x1BFF;
	s21 =	sshll.u32 s6, $0x1;
	s3 =	sadd.s32 s4, s19  }
0x9c: {  	s7 =	simm.s32 $0x0;
	s20 =	sshll.u32 s5, $0x1;
	s5 =	sadd.s32 s21, s3  }
0x9d: {  	[timem:s7], [sflag:s22] =	dma.local [hbm:s5], s20  }
0x9e: {  	_ =	swait.ge [sflag:s22], s20  }
0x9f: {  	s4 =	ssub.s32 $0x0, s20;
	[sflag:s22] =	ssyncset.done $0x0  }
0xa0: {  	[sflag:s22] =	ssyncadd.s32 s4;
	_ =	sdelay $0x1  }
0xa1: {  	s23 =	simm.s32 $0x1B8B  }
0xa2: {  	_ =	swait.ge [sflag:s23], $0x1  }
0xa3: {  	[sflag:s23] =	ssyncset.done $0x0  }
0xa4: {  	s25 =	simm.s32 $0x1B8E;
	s24 =	sld [smem:$0x3FFE];
	[sflag:s23] =	ssyncadd.s32 $0xFFFFFFFF  }
0xa5: {  	s26 =	simm.s32 $execute0_lowered;
	[smem:$0x3FD2] =	sst s25  }
0xa6: {  	s5 =	sshll.u32 s26, $0x1;
	_ =	strace $0x80000046;
	[dreg:$0x1] =	wrdreg $0xFFFFFFFF  }
0xa7: {  	s28 =	simm.s32 $_size_execute0_lowered;
	s3 =	sadd.s32 s3, s5;
	[dreg:$0x0] =	wrdreg $0x0  }
0xa8: {  	s5 =	sshll.u32 s28, $0x1;
	[dreg:$0x2] =	wrdreg s3  }
0xa9: {  	[dreg:$0x3] =	wrdreg s5  }
0xaa: {  	[dreg:$0x4] =	wrdreg $0xC0  }
0xab: {  	_ =	task [dreg:s7], $0x5FFFF  }
0xac: {  	[dreg:$0x1] =	wrdreg $0xFFFFFFFF  }
0xad: {  	[dreg:$0x0] =	wrdreg $0x60  }
0xae: {  	[dreg:$0x2] =	wrdreg s2  }
0xaf: {  	[dreg:$0x3] =	wrdreg s24  }
0xb0: {  	[dreg:$0x4] =	wrdreg $0x0  }
0xb1: {  	[dreg:$0x5] =	wrdreg $0x9  }
0xb2: {  	_ =	task.clear_ibuf [dreg:s7], $0x6FFFF;
	_ =	strace $0x90000046  }
0xb3: {  	s29 =	simm.s32 $0x9;
	_ =	strace $0x80000048  }
0xb4: {  	_ =	swait.ge [sflag:s29], $0x1  }
0xb5: {  	[sflag:s29] =	ssyncadd.s32 $0xFFFFFFFF  }
0xb6: {  	_ =	strace $0x90000048  }
0xb7: {  	_ =	sfence  }
0xb8: {  	s30 =	sld [smem:$0x0];
	_ =	sdelay $0x2  }
0xb9: {  	s31 =	sshll.u32 s1, $0xD;
	s1 =	sshrl.u32 s1, $0x2  }
0xba: {  	s3 =	sand.u32 $0x4000, s31;
	s1 =	sadd.s32 s1, s30  }
0xbb: {  	s0 =	sor.u32 s3, s0;
	s1 =	sshll.u32 s1, $0x11  }
0xbc: {  	s0 =	sor.u32 s1, s0  }
0xbd: {  	s0 =	sadd.s32 $0x8F2B, s0  }
0xbe: {  	[sflag:s0] =	ssyncadd.remote.s32 $0x1  }
0xbf: {  	_ =	sfence.sel $0xFFFF  }
0xc0: {  	[dreg:$0x0] =	wrdreg $0xFFFFFFFF;
	(pc) =	sbr.abs _section_cstart, $3  }
0xc1: {  	[dreg:$0x1] =	wrdreg $0xFFFFFFFF  }
0xc2: {  	_ =	task.clear_ibuf [dreg:s7], $0x2FFFF;
	_ =	strace $0x9FFFFFFF  }
0xc3: {  	(tm) =	ssettm $0x7FFFFFFF  }
tec
execute0_lowered:
.L_overlay_start_1:
0x0: {  	(tag) =	ssettag $0x1  }
0x1: {  	s1 =	rddreg [dreg:$0x0]  }
0x2: {  	s0 =	rddreg [dreg:$0x1]  }
0x3: {  	s2 =	rddreg [dreg:$0x2];
	s3 =	simm.s32 $0x0;
	s4 =	srdreg.scid  }
0x4: {  	s11 =	stileid.u32;
	s28 =	simm.s32 $0x1F8C0;
	s29 =	simm.s32 $0x1FA40  }
0x5: {  	s30 =	simm.s32 $0x1F940;
	s31 =	simm.s32 $0x1FAC0;
	[smem:$0x7FF] =	sst s3  }
0x6: {  	s12 =	sadd.s32 $0xBE00, s0;
	s13 =	sadd.s32 $0x2000, s0;
	s7 =	smul.u32 $0x4E000, s11  }
0x7: {  	s0 =	sadd.s32 $0x15C00, s0;
	s4 =	sand.u32 $0x1, s4;
	s9 =	smul.u32 $0x2700, s11  }
0x8: {  	s19 =	sshll.u32 s11, $0x6;
	s20 =	sadd.s32 $0x138000, s2;
	s22 =	sadd.s32 $0x27000, s1  }
0x9: {  	s16 =	smul.u32 $0x2780, s11;
	p0 =	sne.s32 s11, $0xF;
	_ =	strace $0x80000047  }
0xa: {  	s5 =	ssub.s32 $0x2, s4;
	s6 =	sshll.u32 s4, $0x4;
	s24 =	smul.u32 $0x27100, s4  }
0xb: {  	s21 =	sor.u32 $0x1C0D, s19;
	[dreg:$0x7] =	wrdreg s20;
	s10 =	smul.u32 $0x138800, s4  }
0xc: {  	[dreg:$0x8] =	wrdreg s22;
	s4 =	smul.u32 $0x27800, s4;
	s8 =	sshrl.u32 s5, $0x1  }
0xd: {  	s6 =	sor.u32 s11, s6;
	s7 =	sshrl.u32 s7, $0x2;
	s18 =	sadd.s32 s1, s9  }
0xe: {  	s11 =	simm.s32 $0x138C0;
	[dreg:$0x6] =	wrdreg s21;
	s5 =	ssub.s32 s5, s8  }
0xf: {  	s6 =	smul.u32 $0x2780, s6;
	s7 =	sadd.s32 s7, s2;
	[dreg:$0x5] =	wrdreg s18  }
0x10: {  	s17 =	sadd.s32 s9, s24;
	s18 =	sshrl.u32 s10, $0x3;
	s4 =	sadd.s32 s16, s4  }
0x11: {  	s10 =	simm.s32 $0x80;
	s16 =	simm.s32 $0x9;
	s9 =	simm.s32 $0xC  }
0x12: {  	[dreg:$0x4] =	wrdreg s7;
	s19 =	sadd.s32 $0x280, s4;
	s20 =	sadd.s32 $0x200, s4  }
0x13: {  	s5 =	smax.u32 s5, $0x1;
	s7 =	simm.s32 $0x4;
	s6 =	sshrl.u32 s6, $0x3  }
0x14: {  	[dreg:$0x11] =	wrdreg s5;
	s22 =	sshrl.u32 s20, $0x3;
	s5 =	sadd.s32 $0x180, s4  }
0x15: {  	s4 =	simm.s32 $0x1FB40;
	s23 =	sadd.s32 s12, s6;
	[dreg:$0x16] =	wrdreg s5  }
0x16: {  	s25 =	sadd.s32 s13, s6;
	s26 =	sadd.s32 $0x10, s6;
	[dreg:$0x9] =	wrdreg s23  }
0x17: {  	s20 =	simm.s32 $0x2;
	[dreg:$0xa] =	wrdreg s25;
	s14 =	sadd.s32 s12, s26  }
0x18: {  	s6 =	sadd.s32 $0x20, s6;
	s8 =	sadd.s32 s13, s26;
	[dreg:$0xb] =	wrdreg s14  }
0x19: {  	s15 =	sadd.s32 s12, s6;
	s6 =	sadd.s32 s13, s6;
	[dreg:$0xc] =	wrdreg s8  }
0x1a: {  	s25 =	sadd.s32 s22, s13;
	s23 =	smov.u32 s12;
	[dreg:$0xd] =	wrdreg s15  }
0x1b: {  	s26 =	sadd.s32 s22, s12;
	s22 =	simm.s32 $0xD;
	[dreg:$0xe] =	wrdreg s6  }
0x1c: {  	s6 =	sadd.s32 s0, s17;
	s0 =	sadd.s32 s0, s18;
	[dreg:$0x14] =	wrdreg s25  }
0x1d: {  	[dreg:$0x15] =	wrdreg s26;
	s8 =	simm.s32 $0x7;
	s14 =	simm.s32 $0x178C0  }
0x1e: {  	s15 =	simm.s32 $0x6;
	s17 =	simm.s32 $0x1B8C0;
	s18 =	simm.s32 $0x1  }
0x1f: {  	[dreg:$0xf] =	wrdreg s6;
	s0 =	sadd.s32 $0x27000, s0;
	s6 =	simm.s32 $0x0  }
.Ltmp0:
0x20: {  	[dreg:$0x10] =	wrdreg s0;
	s0 =	sshrl.u32 s19, $0x3;
	(pc) =	sbr.rel .LBB2_1-.Ltmp0, $4  }
0x21: {  	s25 =	simm.s32 $0x3;
	[dreg:$0x17] =	wrdreg s6;
	s24 =	sadd.s32 s0, s13  }
0x22: {  	s26 =	simm.s32 $0xB;
	s0 =	sadd.s32 s0, s12;
	[dreg:$0x12] =	wrdreg s24  }
0x23: {  	s19 =	simm.s32 $0xA;
	s12 =	simm.s32 $0x5;
	[dreg:$0x13] =	wrdreg s0  }
0x24: {  	s24 =	smov.u32 s13;
	s0 =	simm.s32 $0x1F9C0;
	s13 =	simm.s32 $0x8  }
.LBB2_4:
0x25: {  	_ =	swait.ge [sflag:s25], $0x4000  }
0x26: {  	[sflag:s25] =	ssyncset.done $0x0  }
0x27: {  	[sflag:s25] =	ssyncadd.s32 $0xFFFFC000  }
0x28: {  	[spmem:s2] =	stream.indirect.scatter.add.f32 [tilespmem:s17], [sflag:$0xC], $0x80, s4, s10, $0xb8;
	[tilespmem:$0x1FBC0] =	vst v63  }
0x29: {  	_ =	swait.ge [sflag:s18], $0x4000  }
0x2a: {  	[sflag:s18] =	ssyncset.done $0x0  }
0x2b: {  	[sflag:s18] =	ssyncadd.s32 $0xFFFFC000  }
0x2c: {  	[spmem:s2] =	stream.indirect.scatter.add.f32 [tilespmem:s11], [sflag:$0xA], $0x80, s29, s10, $0xb8;
	[tilespmem:$0x1FBC0] =	vst v63  }
0x2d: {  	_ =	swait.ge [sflag:s19], $0x4000  }
0x2e: {  	[sflag:s19] =	ssyncset.done $0x0  }
0x2f: {  	[sflag:s19] =	ssyncadd.s32 $0xFFFFC000  }
0x30: {  	_ =	swait.ge [sflag:s26], $0x4000  }
0x31: {  	[sflag:s26] =	ssyncset.done $0x0  }
0x32: {  	[sflag:s26] =	ssyncadd.s32 $0xFFFFC000  }
0x33: {  	_ =	swait.ge [sflag:s9], $0x4000  }
0x34: {  	[sflag:s9] =	ssyncset.done $0x0  }
0x35: {  	[sflag:s9] =	ssyncadd.s32 $0xFFFFC000  }
0x36: {  	[bflag:$0x0] =	sbarrier.arrive $0xFFFF  }
0x37: {  	s21 =	rddreg [dreg:$0x6]  }
0x38: {  	s5 =	rddreg [dreg:$0xf]  }
0x39: {  	s22 =	simm.s32 $0xD;
	s6 =	rddreg [dreg:$0x18]  }
0x3a: {  	[hbm:s5], [sflag:s21] =	dma.local [spmem:s6], $0x2700  }
0x3b: {  	_ =	swait.ge [sflag:s22], $0x2700  }
0x3c: {  	[sflag:s22] =	ssyncset.done $0x0;
	s5 =	rddreg [dreg:$0x10]  }
0x3d: {  	s6 =	rddreg [dreg:$0x19];
	[sflag:s22] =	ssyncadd.s32 $0xFFFFD900  }
0x3e: {  	[hbm:s5], [sflag:s21] =	dma.local @!p0 [spmem:s6], $0x100  }
0x3f: {  	s6 =	simm.s32 @!p0 $0xD  }
0x40: {  	_ =	swait.ge @!p0 [sflag:s6], $0x100  }
0x41: {  	s5 =	smov.u32 s21;
	s21 =	rddreg [dreg:$0x17]  }
0x42: {  	[sflag:s6] =	ssyncset.done @!p0 $0x0;
	s6 =	rddreg [dreg:$0x11];
	s21 =	sadd.s32 $0x1, s21  }
0x43: {  	p1 =	sne.s32 s21, s6  }
.Ltmp1:
0x44: {  	_ = 	snop;
	(pc) =	sbr.rel @!p1 .LBB2_5-.Ltmp1, $3  }
0x45: {  	_ =	sdelay $0x1  }
0x46: {  	[dreg:$0x17] =	wrdreg s21;
	s21 =	smov.u32 s5;
	s5 =	simm.s32 @!p0 $0xD  }
0x47: {  	[sflag:s5] =	ssyncadd.s32 @!p0 $0xFFFFFF00  }
.LBB2_1:
0x48: {  	s5 =	rddreg [dreg:$0x4]  }
0x49: {  	s6 =	sshrl.u32 s5, $0x3;
	s5 =	rddreg [dreg:$0x5]  }
0x4a: {  	[dreg:$0x18] =	wrdreg s6  }
0x4b: {  	[spmem:s6], [sflag:s21] =	dma.local [hbm:s5], $0x2700  }
0x4c: {  	_ =	swait.ge [sflag:s22], $0x2700  }
0x4d: {  	s5 =	rddreg [dreg:$0x7]  }
0x4e: {  	[sflag:s22] =	ssyncset.done $0x0;
	s6 =	sshrl.u32 @!p0 s5, $0x3;
	s5 =	rddreg [dreg:$0x8]  }
0x4f: {  	[sflag:s22] =	ssyncadd.s32 $0xFFFFD900;
	[dreg:$0x19] =	wrdreg s6  }
0x50: {  	[spmem:s6], [sflag:s21] =	dma.local @!p0 [hbm:s5], $0x100  }
0x51: {  	s5 =	simm.s32 @!p0 $0xD  }
0x52: {  	_ =	swait.ge @!p0 [sflag:s5], $0x100  }
0x53: {  	[sflag:s5] =	ssyncset.done @!p0 $0x0  }
0x54: {  	[sflag:s5] =	ssyncadd.s32 @!p0 $0xFFFFFF00  }
0x55: {  	[bflag:$0x0] =	sbarrier.arrive $0xFFFF  }
0x56: {  	s6 =	rddreg [dreg:$0x9]  }
0x57: {  	[tilespmem:s28], [sflag:$0x4] =	stream.linear.gather [hbm4b:s6+s3], $0x80, $0x38;
	[tilespmem:$0x1FBC0] =	vst v63  }
0x58: {  	s21 =	rddreg [dreg:$0xa]  }
0x59: {  	[tilespmem:s29], [sflag:$0x7] =	stream.linear.gather [hbm4b:s21+s3], $0x80, $0x38;
	[tilespmem:$0x1FBC0] =	vst v63  }
0x5a: {  	s22 =	rddreg [dreg:$0xb]  }
0x5b: {  	[tilespmem:s30], [sflag:$0x5] =	stream.linear.gather [hbm4b:s22+s3], $0x80, $0x38;
	[tilespmem:$0x1FBC0] =	vst v63  }
0x5c: {  	s6 =	rddreg [dreg:$0xc]  }
0x5d: {  	[tilespmem:s31], [sflag:$0x8] =	stream.linear.gather [hbm4b:s6+s3], $0x80, $0x38;
	[tilespmem:$0x1FBC0] =	vst v63  }
0x5e: {  	s21 =	rddreg [dreg:$0xd]  }
0x5f: {  	[tilespmem:s0], [sflag:$0x6] =	stream.linear.gather [hbm4b:s21+s3], $0x80, $0x38;
	[tilespmem:$0x1FBC0] =	vst v63  }
0x60: {  	s22 =	rddreg [dreg:$0xe]  }
0x61: {  	[tilespmem:s4], [sflag:$0x9] =	stream.linear.gather [hbm4b:s22+s3], $0x80, $0x38;
	[tilespmem:$0x1FBC0] =	vst v63  }
0x62: {  	_ =	swait.ge [sflag:s7], $0x80  }
0x63: {  	[sflag:s7] =	ssyncset.done $0x0  }
0x64: {  	[sflag:s7] =	ssyncadd.s32 $0xFFFFFF80  }
0x65: {  	_ =	swait.ge [sflag:s8], $0x80  }
0x66: {  	[sflag:s8] =	ssyncset.done $0x0  }
0x67: {  	[sflag:s8] =	ssyncadd.s32 $0xFFFFFF80  }
0x68: {  	[tilespmem:s11], [sflag:$0x1] =	stream.indirect.gather [hbm4b:s1+s10], $0x80, s28, s10, $0xb8;
	[tilespmem:$0x1FBC0] =	vst v63  }
0x69: {  	_ =	swait.ge [sflag:s12], $0x80  }
0x6a: {  	[sflag:s12] =	ssyncset.done $0x0  }
0x6b: {  	[sflag:s12] =	ssyncadd.s32 $0xFFFFFF80  }
0x6c: {  	_ =	swait.ge [sflag:s13], $0x80  }
0x6d: {  	[sflag:s13] =	ssyncset.done $0x0  }
0x6e: {  	[sflag:s13] =	ssyncadd.s32 $0xFFFFFF80  }
0x6f: {  	[tilespmem:s14], [sflag:$0x2] =	stream.indirect.gather [hbm4b:s1+s10], $0x80, s30, s10, $0xb8;
	[tilespmem:$0x1FBC0] =	vst v63  }
0x70: {  	_ =	swait.ge [sflag:s15], $0x80  }
0x71: {  	[sflag:s15] =	ssyncset.done $0x0  }
0x72: {  	[sflag:s15] =	ssyncadd.s32 $0xFFFFFF80  }
0x73: {  	_ =	swait.ge [sflag:s16], $0x80  }
0x74: {  	[sflag:s16] =	ssyncset.done $0x0  }
0x75: {  	s6 =	simm.s32 $0x0;
	s5 =	rddreg [dreg:$0x16];
	[sflag:s16] =	ssyncadd.s32 $0xFFFFFF80  }
0x76: {  	[tilespmem:s17], [sflag:$0x3] =	stream.indirect.gather [hbm4b:s1+s10], $0x80, s0, s10, $0xb8;
	[tilespmem:$0x1FBC0] =	vst v63  }
.LBB2_2:
0x77: {  	_ =	swait.ge [sflag:s18], $0x4000  }
0x78: {  	[sflag:s18] =	ssyncset.done $0x0  }
0x79: {  	s21 =	sshrl.u32 s5, $0x3;
	[sflag:s18] =	ssyncadd.s32 $0xFFFFC000  }
0x7a: {  	[spmem:s2] =	stream.indirect.scatter.add.f32 [tilespmem:s11], [sflag:$0xA], $0x80, s29, s10, $0xb8;
	[tilespmem:$0x1FBC0] =	vst v63  }
0x7b: {  	s22 =	sadd.s32 s23, s21  }
0x7c: {  	[tilespmem:s28], [sflag:$0x4] =	stream.linear.gather [hbm4b:s22+s3], $0x80, $0x38;
	[tilespmem:$0x1FBC0] =	vst v63  }
0x7d: {  	s21 =	sadd.s32 s24, s21  }
0x7e: {  	[tilespmem:s29], [sflag:$0x7] =	stream.linear.gather [hbm4b:s21+s3], $0x80, $0x38;
	[tilespmem:$0x1FBC0] =	vst v63  }
0x7f: {  	_ =	swait.ge [sflag:s19], $0x4000  }
0x80: {  	[sflag:s19] =	ssyncset.done $0x0  }
0x81: {  	[sflag:s19] =	ssyncadd.s32 $0xFFFFC000  }
0x82: {  	_ =	swait.ge [sflag:s7], $0x80  }
0x83: {  	[sflag:s7] =	ssyncset.done $0x0  }
0x84: {  	[sflag:s7] =	ssyncadd.s32 $0xFFFFFF80  }
0x85: {  	_ =	swait.ge [sflag:s8], $0x80  }
0x86: {  	[sflag:s8] =	ssyncset.done $0x0  }
0x87: {  	p1 =	seq.s32 s6, $0x4B0;
	[sflag:s8] =	ssyncadd.s32 $0xFFFFFF80  }
0x88: {  	[tilespmem:s11], [sflag:$0x1] =	stream.indirect.gather [hbm4b:s1+s10], $0x80, s28, s10, $0xb8;
	[tilespmem:$0x1FBC0] =	vst v63  }
.Ltmp2:
0x89: {  	_ = 	snop;
	(pc) =	sbr.rel @p1 .LBB2_4-.Ltmp2, $4  }
0x8a: {  	_ =	swait.ge [sflag:s20], $0x4000  }
0x8b: {  	[sflag:s20] =	ssyncset.done $0x0  }
0x8c: {  	[sflag:s20] =	ssyncadd.s32 $0xFFFFC000  }
0x8d: {  	[spmem:s2] =	stream.indirect.scatter.add.f32 [tilespmem:s14], [sflag:$0xB], $0x80, s31, s10, $0xb8;
	[tilespmem:$0x1FBC0] =	vst v63  }
0x8e: {  	s21 =	rddreg [dreg:$0x15]  }
0x8f: {  	s22 =	rddreg [dreg:$0x14];
	s21 =	sadd.s32 s6, s21  }
0x90: {  	[tilespmem:s30], [sflag:$0x5] =	stream.linear.gather [hbm4b:s21+s3], $0x80, $0x38;
	[tilespmem:$0x1FBC0] =	vst v63  }
0x91: {  	s21 =	sadd.s32 s6, s22  }
0x92: {  	[tilespmem:s31], [sflag:$0x8] =	stream.linear.gather [hbm4b:s21+s3], $0x80, $0x38;
	[tilespmem:$0x1FBC0] =	vst v63  }
0x93: {  	_ =	swait.ge [sflag:s26], $0x4000  }
0x94: {  	[sflag:s26] =	ssyncset.done $0x0  }
0x95: {  	[sflag:s26] =	ssyncadd.s32 $0xFFFFC000  }
0x96: {  	_ =	swait.ge [sflag:s12], $0x80  }
0x97: {  	[sflag:s12] =	ssyncset.done $0x0  }
0x98: {  	[sflag:s12] =	ssyncadd.s32 $0xFFFFFF80  }
0x99: {  	_ =	swait.ge [sflag:s13], $0x80  }
0x9a: {  	[sflag:s13] =	ssyncset.done $0x0  }
0x9b: {  	[sflag:s13] =	ssyncadd.s32 $0xFFFFFF80  }
0x9c: {  	[tilespmem:s14], [sflag:$0x2] =	stream.indirect.gather [hbm4b:s1+s10], $0x80, s30, s10, $0xb8;
	[tilespmem:$0x1FBC0] =	vst v63  }
0x9d: {  	_ =	swait.ge [sflag:s25], $0x4000  }
0x9e: {  	[sflag:s25] =	ssyncset.done $0x0  }
0x9f: {  	s22 =	rddreg [dreg:$0x13];
	[sflag:s25] =	ssyncadd.s32 $0xFFFFC000  }
0xa0: {  	[spmem:s2] =	stream.indirect.scatter.add.f32 [tilespmem:s17], [sflag:$0xC], $0x80, s4, s10, $0xb8;
	[tilespmem:$0x1FBC0] =	vst v63  }
0xa1: {  	s21 =	sadd.s32 s6, s22;
	s22 =	rddreg [dreg:$0x12]  }
0xa2: {  	[tilespmem:s0], [sflag:$0x6] =	stream.linear.gather [hbm4b:s21+s3], $0x80, $0x38;
	[tilespmem:$0x1FBC0] =	vst v63  }
0xa3: {  	s21 =	sadd.s32 s6, s22  }
0xa4: {  	[tilespmem:s4], [sflag:$0x9] =	stream.linear.gather [hbm4b:s21+s3], $0x80, $0x38;
	[tilespmem:$0x1FBC0] =	vst v63  }
0xa5: {  	_ =	swait.ge [sflag:s9], $0x4000  }
0xa6: {  	[sflag:s9] =	ssyncset.done $0x0  }
0xa7: {  	[sflag:s9] =	ssyncadd.s32 $0xFFFFC000  }
0xa8: {  	_ =	swait.ge [sflag:s15], $0x80  }
0xa9: {  	[sflag:s15] =	ssyncset.done $0x0  }
.Ltmp3:
0xaa: {  	[sflag:s15] =	ssyncadd.s32 $0xFFFFFF80;
	(pc) =	sbr.rel .LBB2_2-.Ltmp3, $4  }
0xab: {  	_ =	swait.ge [sflag:s16], $0x80  }
0xac: {  	[sflag:s16] =	ssyncset.done $0x0  }
0xad: {  	s5 =	sadd.s32 $0x180, s5;
	s6 =	sadd.s32 $0x30, s6;
	[sflag:s16] =	ssyncadd.s32 $0xFFFFFF80  }
0xae: {  	[tilespmem:s17], [sflag:$0x3] =	stream.indirect.gather [hbm4b:s1+s10], $0x80, s0, s10, $0xb8;
	[tilespmem:$0x1FBC0] =	vst v63  }
.LBB2_5:
0xaf: {  	_ =	sfence.sel $0x180000  }
0xb0: {  	[bflag:$0x0] =	sbarrier.arrive $0xFFFF  }
0xb1: {  	_ =	strace $0x90000047  }
0xb2: {  	s0 =	stileid.u32;
	[bflag:$0x2] =	sbarrier.arrive $0xFFFF  }
0xb3: {  	p0 =	sne.s32 s0, $0x0;
	s0 =	rddreg [dreg:$0x3]  }
0xb4: {  	s0 =	sadd.s32 @!p0 $0x100000, s0  }
0xb5: {  	[sflag:s0] =	ssyncadd.tile.s32 @!p0 $0x1;
	_ =	shalt  }
.Lfunc_end2:
_tile_overlayer_lowered:
.L_overlay_start_2:
0xb6: {  	(tag) =	ssettag $0x2  }
0xb7: {  	s0 =	rddreg [dreg:$0x0];
	s2 =	stileid.u32  }
0xb8: {  	s1 =	rddreg [dreg:$0x1];
	p0 =	sne.s32 s2, $0x0  }
0xb9: {  	s3 =	rddreg [dreg:$0x2];
	[bflag:$0x3] =	sbarrier.arrive $0xFFFF;
	s2 =	simm.s32 @!p0 $0x1C0D  }
0xba: {  	[timem:s3], [sflag:s2] =	dma.local @!p0 [hbm:s0], s1  }
0xbb: {  	s0 =	simm.s32 @!p0 $0xD  }
0xbc: {  	_ =	swait.ge @!p0 [sflag:s0], s1  }
0xbd: {  	s1 =	ssub.s32 @!p0 $0x0, s1;
	[sflag:s0] =	ssyncset.done @!p0 $0x0  }
0xbe: {  	[sflag:s0] =	ssyncadd.s32 @!p0 s1  }
0xbf: {  	[bflag:$0x3] =	sbarrier.arrive $0xFFFF  }
0xc0: {  	_ =	shalt  }

// kernel: kernel.9.cloned.1.call-start
scs
__scs_entry_jumppad:
0x0: {  	(pc) =	sbr.rel $0x88, $3  }
0x1: {  	(tag) =	ssettag $0x0;
	lr =	simm.s32 $0x1  }
0x2: {  	[smem:$0x3F97] =	sst lr;
	_ =	strace $0xD0000000  }
0x3: {  	_ = 	snop  }
0x4: {  	_ = 	snop  }
0x5: {  	_ = 	snop  }
0x6: {  	_ = 	snop  }
0x7: {  	_ = 	snop  }
__scs_overlays_trampoline_lowered:
0x8: {  	[smem:$0x3FA6] =	sst s0  }
0x9: {  	[smem:$0x3FA7] =	sst s1  }
0xa: {  	[smem:$0x3FA8] =	sst s2  }
0xb: {  	[smem:$0x3FA9] =	sst s3  }
0xc: {  	[smem:$0x3FAA] =	sst s4  }
0xd: {  	[smem:$0x3FAB] =	sst s5  }
0xe: {  	[smem:$0x3FAC] =	sst s6  }
0xf: {  	[smem:$0x3FAD] =	sst s7  }
0x10: {  	[smem:$0x3FAE] =	sst s8  }
0x11: {  	[smem:$0x3FAF] =	sst s9;
	s0 =	simm.s32 @!p0 $0x0  }
0x12: {  	s1 =	sld [smem:$0x3F95];
	s0 =	simm.s32 @p0 $0x1  }
0x13: {  	[smem:$0x3FB0] =	sst s0;
	s0 =	simm.s32 @!p1 $0x0  }
0x14: {  	s2 =	sld [smem:$0x3F94];
	s0 =	simm.s32 @p1 $0x1  }
0x15: {  	[smem:$0x3FB1] =	sst s0;
	s0 =	simm.s32 @!p2 $0x0  }
0x16: {  	s3 =	sld [smem:$0x3FDB];
	s0 =	simm.s32 @p2 $0x1  }
0x17: {  	s4 =	simm.s32 $0x1BF5;
	[smem:$0x3FB3] =	sst s0  }
0x18: {  	s0 =	sld [smem:$0x3F96];
	_ =	swait.ge [sflag:s4], $0x0  }
0x19: {  	s7 =	sld [smem:$0x3F97]  }
0x1a: {  	s8 =	sadd.s32 $0xFFFFE003, lr  }
0x1b: {  	s9 =	sadd.s32 $0xFFFFFEF7, lr;
	s5 =	simm.s32 $0xFFFFFFFF;
	p2 =	slt.u32 s8, $0xFFFFF086  }
0x1c: {  	p1 =	slt.u32 s9, $0xF7A;
	s5 =	simm.s32 @!p2 $0x0  }
0x1d: {  	s5 =	simm.s32 @p1 $0x1;
	p0 =	seq.s32 s7, s2  }
0x1e: {  	s7 =	smul.u32 @!p0 $0xF7A, s2;
	p2 =	seq.s32 @!p0 s5, $0x0  }
0x1f: {  	s9 =	smul.u32 $0xF7A, s1;
	s8 =	simm.s32 @!p0 $0x1BF5;
	p2 =	por !p2, p0  }
0x20: {  	[sflag:s8] =	ssyncset.s32 @!p0 $0xFFFFF086;
	s6 =	sadd.s32 @!p0 s3, s7;
	s7 =	simm.s32 @!p0 $0x108  }
0x21: {  	s3 =	sadd.s32 s3, s9;
	s6 =	sadd.s32 @!p0 $0x88, s6;
	s7 =	simm.s32 @p2 $0x1082  }
0x22: {  	[simem:s7], [sflag:s8] =	dma.local @!p0 [hbm:s6], $0xF7A  }
0x23: {  	s9 =	sor.u32 $0xD0000000, s2;
	s6 =	simm.s32 $0x108;
	_ =	swait.ge @!p0 [sflag:s8], $0x0  }
0x24: {  	s3 =	sadd.s32 $0x88, s3;
	s6 =	simm.s32 @!p1 $0x1082;
	[sflag:s4] =	ssyncset.s32 $0xFFFFF086  }
0x25: {  	[simem:s6], [sflag:s4] =	dma.local [hbm:s3], $0xF7A  }
0x26: {  	[smem:$0x3F97] =	sst s1;
	(tag) =	ssettag s2;
	_ =	strace s9  }
0x27: {  	s1 =	sld [smem:$0x3FA7]  }
0x28: {  	s2 =	sld [smem:$0x3FA8]  }
0x29: {  	s4 =	sld [smem:$0x3FAA]  }
0x2a: {  	p0 =	seq.s32 s5, $0x0;
	s5 =	sld [smem:$0x3FAB]  }
0x2b: {  	s6 =	sld [smem:$0x3FAC]  }
0x2c: {  	s7 =	sld [smem:$0x3FAD]  }
0x2d: {  	s3 =	simm.s32 $0x108;
	s8 =	sld [smem:$0x3FAE]  }
0x2e: {  	s3 =	simm.s32 @!p0 $0x1082;
	s9 =	sld [smem:$0x3FAF]  }
0x2f: {  	lr =	sadd.s32 s0, s3;
	s0 =	sld [smem:$0x3FA6]  }
0x30: {  	s3 =	sld [smem:$0x3FA9]  }
0x31: {  	[smem:$0x3FB2] =	sst s10  }
0x32: {  	s10 =	sld [smem:$0x3FB0];
	_ =	sdelay $0x3  }
0x33: {  	p0 =	seq.s32 s10, $0x1;
	s10 =	sld [smem:$0x3FB2];
	_ =	sdelay $0x3  }
0x34: {  	[smem:$0x3FB2] =	sst s10  }
0x35: {  	s10 =	sld [smem:$0x3FB1];
	_ =	sdelay $0x3  }
0x36: {  	p1 =	seq.s32 s10, $0x1;
	s10 =	sld [smem:$0x3FB2];
	_ =	sdelay $0x3  }
0x37: {  	[smem:$0x3FB2] =	sst s10  }
0x38: {  	s10 =	sld [smem:$0x3FB3]  }
0x39: {  	_ = 	snop;
	(pc) =	sbr.ind lr, $3  }
0x3a: {  	_ = 	snop  }
0x3b: {  	_ = 	snop  }
0x3c: {  	p2 =	seq.s32 s10, $0x1;
	s10 =	sld [smem:$0x3FB2]  }
0x3d: {  	_ =	shalt  }
0x3e: {  	_ =	shalt  }
0x3f: {  	_ =	shalt  }
0x40: {  	_ =	shalt  }
0x41: {  	_ =	shalt  }
0x42: {  	_ =	shalt  }
0x43: {  	_ =	shalt  }
0x44: {  	_ =	shalt  }
0x45: {  	_ =	shalt  }
0x46: {  	_ =	shalt  }
0x47: {  	_ =	shalt  }
0x48: {  	_ =	shalt  }
0x49: {  	_ =	shalt  }
0x4a: {  	_ =	shalt  }
0x4b: {  	_ =	shalt  }
0x4c: {  	_ =	shalt  }
0x4d: {  	_ =	shalt  }
0x4e: {  	_ =	shalt  }
0x4f: {  	_ =	shalt  }
0x50: {  	_ =	shalt  }
0x51: {  	_ =	shalt  }
0x52: {  	_ =	shalt  }
0x53: {  	_ =	shalt  }
0x54: {  	_ =	shalt  }
0x55: {  	_ =	shalt  }
0x56: {  	_ =	shalt  }
0x57: {  	_ =	shalt  }
0x58: {  	_ =	shalt  }
0x59: {  	_ =	shalt  }
0x5a: {  	_ =	shalt  }
0x5b: {  	_ =	shalt  }
0x5c: {  	_ =	shalt  }
0x5d: {  	_ =	shalt  }
0x5e: {  	_ =	shalt  }
0x5f: {  	_ =	shalt  }
0x60: {  	_ =	shalt  }
0x61: {  	_ =	shalt  }
0x62: {  	_ =	shalt  }
0x63: {  	_ =	shalt  }
0x64: {  	_ =	shalt  }
0x65: {  	_ =	shalt  }
0x66: {  	_ =	shalt  }
0x67: {  	_ =	shalt  }
0x68: {  	_ =	shalt  }
0x69: {  	_ =	shalt  }
0x6a: {  	_ =	shalt  }
0x6b: {  	_ =	shalt  }
0x6c: {  	_ =	shalt  }
0x6d: {  	_ =	shalt  }
0x6e: {  	_ =	shalt  }
0x6f: {  	_ =	shalt  }
0x70: {  	_ =	shalt  }
0x71: {  	_ =	shalt  }
0x72: {  	_ =	shalt  }
0x73: {  	_ =	shalt  }
0x74: {  	_ =	shalt  }
0x75: {  	_ =	shalt  }
0x76: {  	_ =	shalt  }
0x77: {  	_ =	shalt  }
0x78: {  	_ =	shalt  }
0x79: {  	_ =	shalt  }
0x7a: {  	_ =	shalt  }
0x7b: {  	_ =	shalt  }
0x7c: {  	_ =	shalt  }
0x7d: {  	_ =	shalt  }
0x7e: {  	_ =	shalt  }
0x7f: {  	_ =	shalt  }
0x80: {  	_ =	shalt  }
0x81: {  	_ =	shalt  }
0x82: {  	_ =	shalt  }
0x83: {  	_ =	shalt  }
0x84: {  	_ =	shalt  }
0x85: {  	_ =	shalt  }
0x86: {  	_ =	shalt  }
0x87: {  	_ =	shalt  }
.Lfunc_end0:
.L_simem_size_0:
called_computation.1_lowered:
.L_overlay_start_0:
0x88: {  	s2 =	sld [smem:$0x3FD9]  }
0x89: {  	s3 =	sld [smem:$0x3FFE];
	_ =	sdelay $0x1  }
0x8a: {  	s1 =	srdreg.scid  }
0x8b: {  	s0 =	sand.u32 $0x1, s1  }
0x8c: {  	s17 =	sshll.u32 s0, $0xA;
	s2 =	sadd.s32 s3, s2  }
0x8d: {  	s2 =	sadd.s32 s2, s17  }
0x8e: {  	[smem:$0x3FBE] =	sst s2  }
0x8f: {  	_ = 	snop  }
0x90: {  	s2 =	sld [smem:$0x3FD0];
	(tm) =	ssettm $0x1  }
0x91: {  	s18 =	sld [smem:$0x3FFB];
	_ =	sdelay $0x3  }
0x92: {  	_ =	strace s18  }
0x93: {  	s3 =	sld [smem:$0x3FFC];
	_ =	sdelay $0x3  }
0x94: {  	_ =	strace s3  }
0x95: {  	s3 =	sld [smem:$0x3FFD];
	_ =	sdelay $0x3  }
0x96: {  	_ =	strace s3  }
0x97: {  	_ =	strace $0x8FFFFFFF  }
0x98: {  	s19 =	sld [smem:$0x3FDB];
	_ =	sdelay $0x1  }
0x99: {  	s4 =	simm.s32 $_scs_section_size  }
0x9a: {  	s5 =	simm.s32 $_size__tile_overlayer_lowered;
	s6 =	simm.s32 $_tile_overlayer_lowered  }
0x9b: {  	s22 =	simm.s32 $0x1BFF;
	s21 =	sshll.u32 s6, $0x1;
	s3 =	sadd.s32 s4, s19  }
0x9c: {  	s7 =	simm.s32 $0x0;
	s20 =	sshll.u32 s5, $0x1;
	s5 =	sadd.s32 s21, s3  }
0x9d: {  	[timem:s7], [sflag:s22] =	dma.local [hbm:s5], s20  }
0x9e: {  	_ =	swait.ge [sflag:s22], s20  }
0x9f: {  	s4 =	ssub.s32 $0x0, s20;
	[sflag:s22] =	ssyncset.done $0x0  }
0xa0: {  	[sflag:s22] =	ssyncadd.s32 s4;
	_ =	sdelay $0x1  }
0xa1: {  	s23 =	simm.s32 $0x1B8B  }
0xa2: {  	_ =	swait.ge [sflag:s23], $0x1  }
0xa3: {  	[sflag:s23] =	ssyncset.done $0x0  }
0xa4: {  	s25 =	simm.s32 $0x1B8E;
	s24 =	sld [smem:$0x3FFE];
	[sflag:s23] =	ssyncadd.s32 $0xFFFFFFFF  }
0xa5: {  	s26 =	simm.s32 $execute0_lowered;
	[smem:$0x3FD2] =	sst s25  }
0xa6: {  	s5 =	sshll.u32 s26, $0x1;
	_ =	strace $0x80000049;
	[dreg:$0x1] =	wrdreg $0xFFFFFFFF  }
0xa7: {  	s28 =	simm.s32 $_size_execute0_lowered;
	s3 =	sadd.s32 s3, s5;
	[dreg:$0x0] =	wrdreg $0x0  }
0xa8: {  	s5 =	sshll.u32 s28, $0x1;
	[dreg:$0x2] =	wrdreg s3  }
0xa9: {  	[dreg:$0x3] =	wrdreg s5  }
0xaa: {  	[dreg:$0x4] =	wrdreg $0xC0  }
0xab: {  	_ =	task [dreg:s7], $0x5FFFF  }
0xac: {  	[dreg:$0x1] =	wrdreg $0xFFFFFFFF  }
0xad: {  	[dreg:$0x0] =	wrdreg $0x60  }
0xae: {  	[dreg:$0x2] =	wrdreg s2  }
0xaf: {  	[dreg:$0x3] =	wrdreg s24  }
0xb0: {  	[dreg:$0x4] =	wrdreg $0x0  }
0xb1: {  	[dreg:$0x5] =	wrdreg $0x9  }
0xb2: {  	_ =	task.clear_ibuf [dreg:s7], $0x6FFFF;
	_ =	strace $0x90000049  }
0xb3: {  	s29 =	simm.s32 $0x9;
	_ =	strace $0x8000004B  }
0xb4: {  	_ =	swait.ge [sflag:s29], $0x1  }
0xb5: {  	[sflag:s29] =	ssyncadd.s32 $0xFFFFFFFF  }
0xb6: {  	_ =	strace $0x9000004B  }
0xb7: {  	_ =	sfence  }
0xb8: {  	s30 =	sld [smem:$0x0];
	_ =	sdelay $0x2  }
0xb9: {  	s31 =	sshll.u32 s1, $0xD;
	s1 =	sshrl.u32 s1, $0x2  }
0xba: {  	s3 =	sand.u32 $0x4000, s31;
	s1 =	sadd.s32 s1, s30  }
0xbb: {  	s0 =	sor.u32 s3, s0;
	s1 =	sshll.u32 s1, $0x11  }
0xbc: {  	s0 =	sor.u32 s1, s0  }
0xbd: {  	s0 =	sadd.s32 $0x8F2B, s0  }
0xbe: {  	[sflag:s0] =	ssyncadd.remote.s32 $0x1  }
0xbf: {  	_ =	sfence.sel $0xFFFF  }
0xc0: {  	[dreg:$0x0] =	wrdreg $0xFFFFFFFF;
	(pc) =	sbr.abs _section_cstart, $3  }
0xc1: {  	[dreg:$0x1] =	wrdreg $0xFFFFFFFF  }
0xc2: {  	_ =	task.clear_ibuf [dreg:s7], $0x2FFFF;
	_ =	strace $0x9FFFFFFF  }
0xc3: {  	(tm) =	ssettm $0x7FFFFFFF  }
tec
execute0_lowered:
.L_overlay_start_1:
0x0: {  	(tag) =	ssettag $0x1  }
0x1: {  	s1 =	rddreg [dreg:$0x0]  }
0x2: {  	s0 =	rddreg [dreg:$0x1]  }
0x3: {  	s2 =	rddreg [dreg:$0x2];
	s3 =	simm.s32 $0x0;
	s4 =	srdreg.scid  }
0x4: {  	s11 =	stileid.u32;
	s28 =	simm.s32 $0x1F8C0;
	s29 =	simm.s32 $0x1FA40  }
0x5: {  	s30 =	simm.s32 $0x1F940;
	s31 =	simm.s32 $0x1FAC0;
	[smem:$0x7FF] =	sst s3  }
0x6: {  	s12 =	sadd.s32 $0xBE00, s0;
	s13 =	sadd.s32 $0x2000, s0;
	s7 =	smul.u32 $0x4E000, s11  }
0x7: {  	s0 =	sadd.s32 $0x15C00, s0;
	s4 =	sand.u32 $0x1, s4;
	s9 =	smul.u32 $0x2700, s11  }
0x8: {  	s19 =	sshll.u32 s11, $0x6;
	s20 =	sadd.s32 $0x138000, s2;
	s22 =	sadd.s32 $0x27000, s1  }
0x9: {  	s16 =	smul.u32 $0x2780, s11;
	p0 =	sne.s32 s11, $0xF;
	_ =	strace $0x8000004A  }
0xa: {  	s5 =	ssub.s32 $0x2, s4;
	s6 =	sshll.u32 s4, $0x4;
	s24 =	smul.u32 $0x27100, s4  }
0xb: {  	s21 =	sor.u32 $0x1C0D, s19;
	[dreg:$0x7] =	wrdreg s20;
	s10 =	smul.u32 $0x138800, s4  }
0xc: {  	[dreg:$0x8] =	wrdreg s22;
	s4 =	smul.u32 $0x27800, s4;
	s8 =	sshrl.u32 s5, $0x1  }
0xd: {  	s6 =	sor.u32 s11, s6;
	s7 =	sshrl.u32 s7, $0x2;
	s18 =	sadd.s32 s1, s9  }
0xe: {  	s11 =	simm.s32 $0x138C0;
	[dreg:$0x6] =	wrdreg s21;
	s5 =	ssub.s32 s5, s8  }
0xf: {  	s6 =	smul.u32 $0x2780, s6;
	s7 =	sadd.s32 s7, s2;
	[dreg:$0x5] =	wrdreg s18  }
0x10: {  	s17 =	sadd.s32 s9, s24;
	s18 =	sshrl.u32 s10, $0x3;
	s4 =	sadd.s32 s16, s4  }
0x11: {  	s10 =	simm.s32 $0x80;
	s16 =	simm.s32 $0x9;
	s9 =	simm.s32 $0xC  }
0x12: {  	[dreg:$0x4] =	wrdreg s7;
	s19 =	sadd.s32 $0x280, s4;
	s20 =	sadd.s32 $0x200, s4  }
0x13: {  	s5 =	smax.u32 s5, $0x1;
	s7 =	simm.s32 $0x4;
	s6 =	sshrl.u32 s6, $0x3  }
0x14: {  	[dreg:$0x11] =	wrdreg s5;
	s22 =	sshrl.u32 s20, $0x3;
	s5 =	sadd.s32 $0x180, s4  }
0x15: {  	s4 =	simm.s32 $0x1FB40;
	s23 =	sadd.s32 s12, s6;
	[dreg:$0x16] =	wrdreg s5  }
0x16: {  	s25 =	sadd.s32 s13, s6;
	s26 =	sadd.s32 $0x10, s6;
	[dreg:$0x9] =	wrdreg s23  }
0x17: {  	s20 =	simm.s32 $0x2;
	[dreg:$0xa] =	wrdreg s25;
	s14 =	sadd.s32 s12, s26  }
0x18: {  	s6 =	sadd.s32 $0x20, s6;
	s8 =	sadd.s32 s13, s26;
	[dreg:$0xb] =	wrdreg s14  }
0x19: {  	s15 =	sadd.s32 s12, s6;
	s6 =	sadd.s32 s13, s6;
	[dreg:$0xc] =	wrdreg s8  }
0x1a: {  	s25 =	sadd.s32 s22, s13;
	s23 =	smov.u32 s12;
	[dreg:$0xd] =	wrdreg s15  }
0x1b: {  	s26 =	sadd.s32 s22, s12;
	s22 =	simm.s32 $0xD;
	[dreg:$0xe] =	wrdreg s6  }
0x1c: {  	s6 =	sadd.s32 s0, s17;
	s0 =	sadd.s32 s0, s18;
	[dreg:$0x14] =	wrdreg s25  }
0x1d: {  	[dreg:$0x15] =	wrdreg s26;
	s8 =	simm.s32 $0x7;
	s14 =	simm.s32 $0x178C0  }
0x1e: {  	s15 =	simm.s32 $0x6;
	s17 =	simm.s32 $0x1B8C0;
	s18 =	simm.s32 $0x1  }
0x1f: {  	[dreg:$0xf] =	wrdreg s6;
	s0 =	sadd.s32 $0x27000, s0;
	s6 =	simm.s32 $0x0  }
.Ltmp0:
0x20: {  	[dreg:$0x10] =	wrdreg s0;
	s0 =	sshrl.u32 s19, $0x3;
	(pc) =	sbr.rel .LBB2_1-.Ltmp0, $4  }
0x21: {  	s25 =	simm.s32 $0x3;
	[dreg:$0x17] =	wrdreg s6;
	s24 =	sadd.s32 s0, s13  }
0x22: {  	s26 =	simm.s32 $0xB;
	s0 =	sadd.s32 s0, s12;
	[dreg:$0x12] =	wrdreg s24  }
0x23: {  	s19 =	simm.s32 $0xA;
	s12 =	simm.s32 $0x5;
	[dreg:$0x13] =	wrdreg s0  }
0x24: {  	s24 =	smov.u32 s13;
	s0 =	simm.s32 $0x1F9C0;
	s13 =	simm.s32 $0x8  }
.LBB2_4:
0x25: {  	_ =	swait.ge [sflag:s25], $0x4000  }
0x26: {  	[sflag:s25] =	ssyncset.done $0x0  }
0x27: {  	[sflag:s25] =	ssyncadd.s32 $0xFFFFC000  }
0x28: {  	[spmem:s2] =	stream.indirect.scatter.add.f32 [tilespmem:s17], [sflag:$0xC], $0x80, s4, s10, $0xb8;
	[tilespmem:$0x1FBC0] =	vst v63  }
0x29: {  	_ =	swait.ge [sflag:s18], $0x4000  }
0x2a: {  	[sflag:s18] =	ssyncset.done $0x0  }
0x2b: {  	[sflag:s18] =	ssyncadd.s32 $0xFFFFC000  }
0x2c: {  	[spmem:s2] =	stream.indirect.scatter.add.f32 [tilespmem:s11], [sflag:$0xA], $0x80, s29, s10, $0xb8;
	[tilespmem:$0x1FBC0] =	vst v63  }
0x2d: {  	_ =	swait.ge [sflag:s19], $0x4000  }
0x2e: {  	[sflag:s19] =	ssyncset.done $0x0  }
0x2f: {  	[sflag:s19] =	ssyncadd.s32 $0xFFFFC000  }
0x30: {  	_ =	swait.ge [sflag:s26], $0x4000  }
0x31: {  	[sflag:s26] =	ssyncset.done $0x0  }
0x32: {  	[sflag:s26] =	ssyncadd.s32 $0xFFFFC000  }
0x33: {  	_ =	swait.ge [sflag:s9], $0x4000  }
0x34: {  	[sflag:s9] =	ssyncset.done $0x0  }
0x35: {  	[sflag:s9] =	ssyncadd.s32 $0xFFFFC000  }
0x36: {  	[bflag:$0x0] =	sbarrier.arrive $0xFFFF  }
0x37: {  	s21 =	rddreg [dreg:$0x6]  }
0x38: {  	s5 =	rddreg [dreg:$0xf]  }
0x39: {  	s22 =	simm.s32 $0xD;
	s6 =	rddreg [dreg:$0x18]  }
0x3a: {  	[hbm:s5], [sflag:s21] =	dma.local [spmem:s6], $0x2700  }
0x3b: {  	_ =	swait.ge [sflag:s22], $0x2700  }
0x3c: {  	[sflag:s22] =	ssyncset.done $0x0;
	s5 =	rddreg [dreg:$0x10]  }
0x3d: {  	s6 =	rddreg [dreg:$0x19];
	[sflag:s22] =	ssyncadd.s32 $0xFFFFD900  }
0x3e: {  	[hbm:s5], [sflag:s21] =	dma.local @!p0 [spmem:s6], $0x100  }
0x3f: {  	s6 =	simm.s32 @!p0 $0xD  }
0x40: {  	_ =	swait.ge @!p0 [sflag:s6], $0x100  }
0x41: {  	s5 =	smov.u32 s21;
	s21 =	rddreg [dreg:$0x17]  }
0x42: {  	[sflag:s6] =	ssyncset.done @!p0 $0x0;
	s6 =	rddreg [dreg:$0x11];
	s21 =	sadd.s32 $0x1, s21  }
0x43: {  	p1 =	sne.s32 s21, s6  }
.Ltmp1:
0x44: {  	_ = 	snop;
	(pc) =	sbr.rel @!p1 .LBB2_5-.Ltmp1, $3  }
0x45: {  	_ =	sdelay $0x1  }
0x46: {  	[dreg:$0x17] =	wrdreg s21;
	s21 =	smov.u32 s5;
	s5 =	simm.s32 @!p0 $0xD  }
0x47: {  	[sflag:s5] =	ssyncadd.s32 @!p0 $0xFFFFFF00  }
.LBB2_1:
0x48: {  	s5 =	rddreg [dreg:$0x4]  }
0x49: {  	s6 =	sshrl.u32 s5, $0x3;
	s5 =	rddreg [dreg:$0x5]  }
0x4a: {  	[dreg:$0x18] =	wrdreg s6  }
0x4b: {  	[spmem:s6], [sflag:s21] =	dma.local [hbm:s5], $0x2700  }
0x4c: {  	_ =	swait.ge [sflag:s22], $0x2700  }
0x4d: {  	s5 =	rddreg [dreg:$0x7]  }
0x4e: {  	[sflag:s22] =	ssyncset.done $0x0;
	s6 =	sshrl.u32 @!p0 s5, $0x3;
	s5 =	rddreg [dreg:$0x8]  }
0x4f: {  	[sflag:s22] =	ssyncadd.s32 $0xFFFFD900;
	[dreg:$0x19] =	wrdreg s6  }
0x50: {  	[spmem:s6], [sflag:s21] =	dma.local @!p0 [hbm:s5], $0x100  }
0x51: {  	s5 =	simm.s32 @!p0 $0xD  }
0x52: {  	_ =	swait.ge @!p0 [sflag:s5], $0x100  }
0x53: {  	[sflag:s5] =	ssyncset.done @!p0 $0x0  }
0x54: {  	[sflag:s5] =	ssyncadd.s32 @!p0 $0xFFFFFF00  }
0x55: {  	[bflag:$0x0] =	sbarrier.arrive $0xFFFF  }
0x56: {  	s6 =	rddreg [dreg:$0x9]  }
0x57: {  	[tilespmem:s28], [sflag:$0x4] =	stream.linear.gather [hbm4b:s6+s3], $0x80, $0x38;
	[tilespmem:$0x1FBC0] =	vst v63  }
0x58: {  	s21 =	rddreg [dreg:$0xa]  }
0x59: {  	[tilespmem:s29], [sflag:$0x7] =	stream.linear.gather [hbm4b:s21+s3], $0x80, $0x38;
	[tilespmem:$0x1FBC0] =	vst v63  }
0x5a: {  	s22 =	rddreg [dreg:$0xb]  }
0x5b: {  	[tilespmem:s30], [sflag:$0x5] =	stream.linear.gather [hbm4b:s22+s3], $0x80, $0x38;
	[tilespmem:$0x1FBC0] =	vst v63  }
0x5c: {  	s6 =	rddreg [dreg:$0xc]  }
0x5d: {  	[tilespmem:s31], [sflag:$0x8] =	stream.linear.gather [hbm4b:s6+s3], $0x80, $0x38;
	[tilespmem:$0x1FBC0] =	vst v63  }
0x5e: {  	s21 =	rddreg [dreg:$0xd]  }
0x5f: {  	[tilespmem:s0], [sflag:$0x6] =	stream.linear.gather [hbm4b:s21+s3], $0x80, $0x38;
	[tilespmem:$0x1FBC0] =	vst v63  }
0x60: {  	s22 =	rddreg [dreg:$0xe]  }
0x61: {  	[tilespmem:s4], [sflag:$0x9] =	stream.linear.gather [hbm4b:s22+s3], $0x80, $0x38;
	[tilespmem:$0x1FBC0] =	vst v63  }
0x62: {  	_ =	swait.ge [sflag:s7], $0x80  }
0x63: {  	[sflag:s7] =	ssyncset.done $0x0  }
0x64: {  	[sflag:s7] =	ssyncadd.s32 $0xFFFFFF80  }
0x65: {  	_ =	swait.ge [sflag:s8], $0x80  }
0x66: {  	[sflag:s8] =	ssyncset.done $0x0  }
0x67: {  	[sflag:s8] =	ssyncadd.s32 $0xFFFFFF80  }
0x68: {  	[tilespmem:s11], [sflag:$0x1] =	stream.indirect.gather [hbm4b:s1+s10], $0x80, s28, s10, $0xb8;
	[tilespmem:$0x1FBC0] =	vst v63  }
0x69: {  	_ =	swait.ge [sflag:s12], $0x80  }
0x6a: {  	[sflag:s12] =	ssyncset.done $0x0  }
0x6b: {  	[sflag:s12] =	ssyncadd.s32 $0xFFFFFF80  }
0x6c: {  	_ =	swait.ge [sflag:s13], $0x80  }
0x6d: {  	[sflag:s13] =	ssyncset.done $0x0  }
0x6e: {  	[sflag:s13] =	ssyncadd.s32 $0xFFFFFF80  }
0x6f: {  	[tilespmem:s14], [sflag:$0x2] =	stream.indirect.gather [hbm4b:s1+s10], $0x80, s30, s10, $0xb8;
	[tilespmem:$0x1FBC0] =	vst v63  }
0x70: {  	_ =	swait.ge [sflag:s15], $0x80  }
0x71: {  	[sflag:s15] =	ssyncset.done $0x0  }
0x72: {  	[sflag:s15] =	ssyncadd.s32 $0xFFFFFF80  }
0x73: {  	_ =	swait.ge [sflag:s16], $0x80  }
0x74: {  	[sflag:s16] =	ssyncset.done $0x0  }
0x75: {  	s6 =	simm.s32 $0x0;
	s5 =	rddreg [dreg:$0x16];
	[sflag:s16] =	ssyncadd.s32 $0xFFFFFF80  }
0x76: {  	[tilespmem:s17], [sflag:$0x3] =	stream.indirect.gather [hbm4b:s1+s10], $0x80, s0, s10, $0xb8;
	[tilespmem:$0x1FBC0] =	vst v63  }
.LBB2_2:
0x77: {  	_ =	swait.ge [sflag:s18], $0x4000  }
0x78: {  	[sflag:s18] =	ssyncset.done $0x0  }
0x79: {  	s21 =	sshrl.u32 s5, $0x3;
	[sflag:s18] =	ssyncadd.s32 $0xFFFFC000  }
0x7a: {  	[spmem:s2] =	stream.indirect.scatter.add.f32 [tilespmem:s11], [sflag:$0xA], $0x80, s29, s10, $0xb8;
	[tilespmem:$0x1FBC0] =	vst v63  }
0x7b: {  	s22 =	sadd.s32 s23, s21  }
0x7c: {  	[tilespmem:s28], [sflag:$0x4] =	stream.linear.gather [hbm4b:s22+s3], $0x80, $0x38;
	[tilespmem:$0x1FBC0] =	vst v63  }
0x7d: {  	s21 =	sadd.s32 s24, s21  }
0x7e: {  	[tilespmem:s29], [sflag:$0x7] =	stream.linear.gather [hbm4b:s21+s3], $0x80, $0x38;
	[tilespmem:$0x1FBC0] =	vst v63  }
0x7f: {  	_ =	swait.ge [sflag:s19], $0x4000  }
0x80: {  	[sflag:s19] =	ssyncset.done $0x0  }
0x81: {  	[sflag:s19] =	ssyncadd.s32 $0xFFFFC000  }
0x82: {  	_ =	swait.ge [sflag:s7], $0x80  }
0x83: {  	[sflag:s7] =	ssyncset.done $0x0  }
0x84: {  	[sflag:s7] =	ssyncadd.s32 $0xFFFFFF80  }
0x85: {  	_ =	swait.ge [sflag:s8], $0x80  }
0x86: {  	[sflag:s8] =	ssyncset.done $0x0  }
0x87: {  	p1 =	seq.s32 s6, $0x4B0;
	[sflag:s8] =	ssyncadd.s32 $0xFFFFFF80  }
0x88: {  	[tilespmem:s11], [sflag:$0x1] =	stream.indirect.gather [hbm4b:s1+s10], $0x80, s28, s10, $0xb8;
	[tilespmem:$0x1FBC0] =	vst v63  }
.Ltmp2:
0x89: {  	_ = 	snop;
	(pc) =	sbr.rel @p1 .LBB2_4-.Ltmp2, $4  }
0x8a: {  	_ =	swait.ge [sflag:s20], $0x4000  }
0x8b: {  	[sflag:s20] =	ssyncset.done $0x0  }
0x8c: {  	[sflag:s20] =	ssyncadd.s32 $0xFFFFC000  }
0x8d: {  	[spmem:s2] =	stream.indirect.scatter.add.f32 [tilespmem:s14], [sflag:$0xB], $0x80, s31, s10, $0xb8;
	[tilespmem:$0x1FBC0] =	vst v63  }
0x8e: {  	s21 =	rddreg [dreg:$0x15]  }
0x8f: {  	s22 =	rddreg [dreg:$0x14];
	s21 =	sadd.s32 s6, s21  }
0x90: {  	[tilespmem:s30], [sflag:$0x5] =	stream.linear.gather [hbm4b:s21+s3], $0x80, $0x38;
	[tilespmem:$0x1FBC0] =	vst v63  }
0x91: {  	s21 =	sadd.s32 s6, s22  }
0x92: {  	[tilespmem:s31], [sflag:$0x8] =	stream.linear.gather [hbm4b:s21+s3], $0x80, $0x38;
	[tilespmem:$0x1FBC0] =	vst v63  }
0x93: {  	_ =	swait.ge [sflag:s26], $0x4000  }
0x94: {  	[sflag:s26] =	ssyncset.done $0x0  }
0x95: {  	[sflag:s26] =	ssyncadd.s32 $0xFFFFC000  }
0x96: {  	_ =	swait.ge [sflag:s12], $0x80  }
0x97: {  	[sflag:s12] =	ssyncset.done $0x0  }
0x98: {  	[sflag:s12] =	ssyncadd.s32 $0xFFFFFF80  }
0x99: {  	_ =	swait.ge [sflag:s13], $0x80  }
0x9a: {  	[sflag:s13] =	ssyncset.done $0x0  }
0x9b: {  	[sflag:s13] =	ssyncadd.s32 $0xFFFFFF80  }
0x9c: {  	[tilespmem:s14], [sflag:$0x2] =	stream.indirect.gather [hbm4b:s1+s10], $0x80, s30, s10, $0xb8;
	[tilespmem:$0x1FBC0] =	vst v63  }
0x9d: {  	_ =	swait.ge [sflag:s25], $0x4000  }
0x9e: {  	[sflag:s25] =	ssyncset.done $0x0  }
0x9f: {  	s22 =	rddreg [dreg:$0x13];
	[sflag:s25] =	ssyncadd.s32 $0xFFFFC000  }
0xa0: {  	[spmem:s2] =	stream.indirect.scatter.add.f32 [tilespmem:s17], [sflag:$0xC], $0x80, s4, s10, $0xb8;
	[tilespmem:$0x1FBC0] =	vst v63  }
0xa1: {  	s21 =	sadd.s32 s6, s22;
	s22 =	rddreg [dreg:$0x12]  }
0xa2: {  	[tilespmem:s0], [sflag:$0x6] =	stream.linear.gather [hbm4b:s21+s3], $0x80, $0x38;
	[tilespmem:$0x1FBC0] =	vst v63  }
0xa3: {  	s21 =	sadd.s32 s6, s22  }
0xa4: {  	[tilespmem:s4], [sflag:$0x9] =	stream.linear.gather [hbm4b:s21+s3], $0x80, $0x38;
	[tilespmem:$0x1FBC0] =	vst v63  }
0xa5: {  	_ =	swait.ge [sflag:s9], $0x4000  }
0xa6: {  	[sflag:s9] =	ssyncset.done $0x0  }
0xa7: {  	[sflag:s9] =	ssyncadd.s32 $0xFFFFC000  }
0xa8: {  	_ =	swait.ge [sflag:s15], $0x80  }
0xa9: {  	[sflag:s15] =	ssyncset.done $0x0  }
.Ltmp3:
0xaa: {  	[sflag:s15] =	ssyncadd.s32 $0xFFFFFF80;
	(pc) =	sbr.rel .LBB2_2-.Ltmp3, $4  }
0xab: {  	_ =	swait.ge [sflag:s16], $0x80  }
0xac: {  	[sflag:s16] =	ssyncset.done $0x0  }
0xad: {  	s5 =	sadd.s32 $0x180, s5;
	s6 =	sadd.s32 $0x30, s6;
	[sflag:s16] =	ssyncadd.s32 $0xFFFFFF80  }
0xae: {  	[tilespmem:s17], [sflag:$0x3] =	stream.indirect.gather [hbm4b:s1+s10], $0x80, s0, s10, $0xb8;
	[tilespmem:$0x1FBC0] =	vst v63  }
.LBB2_5:
0xaf: {  	_ =	sfence.sel $0x180000  }
0xb0: {  	[bflag:$0x0] =	sbarrier.arrive $0xFFFF  }
0xb1: {  	_ =	strace $0x9000004A  }
0xb2: {  	s0 =	stileid.u32;
	[bflag:$0x2] =	sbarrier.arrive $0xFFFF  }
0xb3: {  	p0 =	sne.s32 s0, $0x0;
	s0 =	rddreg [dreg:$0x3]  }
0xb4: {  	s0 =	sadd.s32 @!p0 $0x100000, s0  }
0xb5: {  	[sflag:s0] =	ssyncadd.tile.s32 @!p0 $0x1;
	_ =	shalt  }
.Lfunc_end2:
_tile_overlayer_lowered:
.L_overlay_start_2:
0xb6: {  	(tag) =	ssettag $0x2  }
0xb7: {  	s0 =	rddreg [dreg:$0x0];
	s2 =	stileid.u32  }
0xb8: {  	s1 =	rddreg [dreg:$0x1];
	p0 =	sne.s32 s2, $0x0  }
0xb9: {  	s3 =	rddreg [dreg:$0x2];
	[bflag:$0x3] =	sbarrier.arrive $0xFFFF;
	s2 =	simm.s32 @!p0 $0x1C0D  }
0xba: {  	[timem:s3], [sflag:s2] =	dma.local @!p0 [hbm:s0], s1  }
0xbb: {  	s0 =	simm.s32 @!p0 $0xD  }
0xbc: {  	_ =	swait.ge @!p0 [sflag:s0], s1  }
0xbd: {  	s1 =	ssub.s32 @!p0 $0x0, s1;
	[sflag:s0] =	ssyncset.done @!p0 $0x0  }
0xbe: {  	[sflag:s0] =	ssyncadd.s32 @!p0 s1  }
0xbf: {  	[bflag:$0x3] =	sbarrier.arrive $0xFFFF  }
0xc0: {  	_ =	shalt  }

</sc_bundles>
